<compile_context>
chip_gen: v7x
topology: tpu7x:2x2x1
jax: 0.10.2.dev20260603
libtpu: 0.0.44.dev20260713+nightly
codegen_flags: <defaults>
</compile_context>

<pallas_src>
import functools

import jax
import jax.numpy as jnp
from jax import lax
from jax.experimental import pallas as pl
from jax.experimental.pallas import tpu as pltpu
from jax.experimental.pallas import tpu_sc as plsc

_NC = 2
_NS = 16
_NW = _NC * _NS

_D = 64
_S = 200
_CH = 128
_SEQ_BLK = 16


def _sc_body(n_per_w, xf, tok_tbl, out, xi0, xi1, tb0, tb1, sg0, sg1,
             sw0, sw1):
    xi = (xi0, xi1)
    tb = (tb0, tb1)
    sg = (sg0, sg1)
    sw = (sw0, sw1)
    wid = lax.axis_index("s") * _NC + lax.axis_index("c")
    base0 = wid * n_per_w
    nblk = n_per_w

    def stage(blk, p):
        pltpu.sync_copy(xf.at[base0 + blk], xi[p])

    def gather_copies(p):
        cps = []
        for (o, n) in ((0, _CH), (_CH, _S - _CH)):
            sl = pl.ds(o, n)
            cps.append(pltpu.make_async_copy(
                tok_tbl.at[xi[p].at[sl]], tb[p].at[sl], sg[p]))
        return cps

    def fire_gather(p):
        for c in gather_copies(p):
            c.start()

    def wait_gather(p):
        for c in gather_copies(p):
            c.wait()

    def wb_copy(blk, p):
        row0 = pl.multiple_of((base0 + blk) * _S, _S)
        return pltpu.make_async_copy(
            tb[p], out.at[pl.ds(row0, _S), pl.ds(0, _D)], sw[p])

    stage(0, 0)
    fire_gather(0)
    stage(1, 1)
    fire_gather(1)
    wait_gather(0)
    wb_copy(0, 0).start()

    def step(i2, carry):
        for off in (0, 1):
            b = 1 + 2 * i2 + off
            p = (1 + off) % 2
            pp = 1 - p
            stage(b + 1, pp)
            wb_copy(b - 1, pp).wait()
            fire_gather(pp)
            wait_gather(p)
            wb_copy(b, p).start()
        return carry

    lax.fori_loop(0, (nblk - 2) // 2, step, 0)

    wb_copy(nblk - 2, 0).wait()
    wait_gather(1)
    wb_copy(nblk - 1, 1).start()
    wb_copy(nblk - 1, 1).wait()


def _tc_body(tok_ref, seg_ref, pos_ref, st_ref, g_ref, b_ref, out_ref):
    x = tok_ref[...][:, :_D].reshape(_SEQ_BLK, _S, _D)
    segf = seg_ref[...].astype(jnp.float32)
    s0 = st_ref[0]
    d01 = st_ref[1] - st_ref[0]
    h = (x + pos_ref[...][None, :, :] + s0[None, None, :]
         + segf[:, :, None] * d01[None, None, :])
    mean = jnp.mean(h, axis=-1, keepdims=True)
    var = jnp.mean(h * h, axis=-1, keepdims=True) - mean * mean
    inv = lax.rsqrt(var + 1e-5)
    y = (h - mean) * inv * g_ref[...] + b_ref[...]
    out_ref[...] = y.reshape(_SEQ_BLK * _S, _D)


def kernel(x, seg, tok_table, pos_table, seg_table, gamma, beta):
    B, S = x.shape
    D = tok_table.shape[1]
    N = B * S
    n_per_w = B // _NW

    xf = x.astype(jnp.int32)

    mesh = plsc.VectorSubcoreMesh(core_axis_name="c", subcore_axis_name="s")
    gather = pl.kernel(
        functools.partial(_sc_body, n_per_w),
        out_type=jax.ShapeDtypeStruct((N, 2 * D), jnp.float32),
        mesh=mesh,
        compiler_params=pltpu.CompilerParams(
            needs_layout_passes=False, use_tc_tiling_on_sc=False),
        scratch_types=[
            pltpu.VMEM((_S,), jnp.int32),
            pltpu.VMEM((_S,), jnp.int32),
            pltpu.VMEM((_S, _D), jnp.float32),
            pltpu.VMEM((_S, _D), jnp.float32),
            pltpu.SemaphoreType.DMA,
            pltpu.SemaphoreType.DMA,
            pltpu.SemaphoreType.DMA,
            pltpu.SemaphoreType.DMA,
        ],
    )
    padded = gather(xf, tok_table)

    ln = pl.pallas_call(
        _tc_body,
        out_shape=jax.ShapeDtypeStruct((N, D), jnp.float32),
        grid=(B // _SEQ_BLK,),
        in_specs=[
            pl.BlockSpec((_SEQ_BLK * S, 2 * D), lambda i: (i, 0)),
            pl.BlockSpec((_SEQ_BLK, S), lambda i: (i, 0)),
            pl.BlockSpec((S, D), lambda i: (0, 0)),
            pl.BlockSpec((2, D), lambda i: (0, 0)),
            pl.BlockSpec((D,), lambda i: (0,)),
            pl.BlockSpec((D,), lambda i: (0,)),
        ],
        out_specs=pl.BlockSpec((_SEQ_BLK * S, D), lambda i: (i, 0)),
    )
    out = ln(padded, seg.astype(jnp.int32), pos_table[:S], seg_table,
             gamma, beta)
    return out.reshape(B, S, D)

# --- scband reference (transcript-rebuilt; emitter-appended) ---
"""Pipeline reference for scband-embedding-56169582297218 (READ-ONLY COPY).

The authoritative reference and input builder live on the scoring server;
editing this copy changes nothing except your own understanding.
"""

import jax, jax.numpy as jnp
import numpy as np

VOCAB = 100000
MAXLEN = 512
NSEG = 2
D = 64
B = 4096
S = 200


def setup_inputs(seed: int = 0) -> dict:
    key = jax.random.key(seed)
    k1, k2, k3, k4, k5 = jax.random.split(key, 5)
    x = jax.random.randint(k1, (B, S), 0, VOCAB, dtype=jnp.int64 if jax.config.jax_enable_x64 else jnp.int32)
    seg = jax.random.randint(k2, (B, S), 0, NSEG, dtype=jnp.int64 if jax.config.jax_enable_x64 else jnp.int32)
    tok_table = jax.random.normal(k3, (VOCAB, D), dtype=jnp.float32)
    pos_table = jax.random.normal(k4, (MAXLEN, D), dtype=jnp.float32)
    seg_table = jax.random.normal(k5, (NSEG, D), dtype=jnp.float32)
    gamma = jnp.ones((D,), dtype=jnp.float32)
    beta = jnp.zeros((D,), dtype=jnp.float32)
    return {"x": x, "seg": seg, "tok_table": tok_table, "pos_table": pos_table, "seg_table": seg_table, "gamma": gamma, "beta": beta}


def _layer_norm(h, gamma, beta, eps=1e-5):
    mean = jnp.mean(h, axis=-1, keepdims=True)
    var = jnp.mean((h - mean) ** 2, axis=-1, keepdims=True)
    return (h - mean) / jnp.sqrt(var + eps) * gamma + beta


def reference(x, seg, tok_table, pos_table, seg_table, gamma, beta):
    seq_len = x.shape[1]
    pos = jnp.arange(seq_len, dtype=x.dtype)
    pos = jnp.broadcast_to(pos[None, :], x.shape)
    emb = jnp.take(tok_table, x, axis=0) + jnp.take(pos_table, pos, axis=0) + jnp.take(seg_table, seg, axis=0)
    return _layer_norm(emb, gamma, beta)

if __name__ == "__main__":
    import jax
    _d = setup_inputs()
    print(jax.jit(kernel)(*tuple(_d.values())))

</pallas_src>

<mosaic_0001>
#map = affine_map<(d0, d1) -> (0, 0)>
module attributes {stable_mosaic.version = 14 : i64} {
  func.func @_sc_body(%arg0: i32, %arg1: i32, %arg2: memref<4096x200xi32, #tpu.memory_space<hbm>>, %arg3: memref<100000x64xf32, #tpu.memory_space<hbm>>, %arg4: memref<819200x128xf32, #tpu.memory_space<hbm>>, %arg5: memref<200xi32, #tpu.memory_space<vmem>>, %arg6: memref<200xi32, #tpu.memory_space<vmem>>, %arg7: memref<200x64xf32, #tpu.memory_space<vmem>>, %arg8: memref<200x64xf32, #tpu.memory_space<vmem>>, %arg9: memref<!tpu.dma_semaphore, #tpu.memory_space<semaphore_mem>>, %arg10: memref<!tpu.dma_semaphore, #tpu.memory_space<semaphore_mem>>, %arg11: memref<!tpu.dma_semaphore, #tpu.memory_space<semaphore_mem>>, %arg12: memref<!tpu.dma_semaphore, #tpu.memory_space<semaphore_mem>>) attributes {dimension_semantics = [#tpu.dimension_semantics<core_parallel>, #tpu.dimension_semantics<subcore_parallel>], iteration_bounds = array<i64: 2, 16>, scalar_prefetch = 0 : i64, scratch_operands = 8 : i64, tpu.core_type = #tpu.core_type<sc_vector_subcore>, window_params = [{transform_indices = #map}, {transform_indices = #map}, {transform_indices = #map}]} {
    %mul3A = arith.constant 2 : i32
    %mul3A_0 = arith.muli %arg1, %mul3A : i32
    %add3A = arith.addi %mul3A_0, %arg0 : i32
    %mul3A_1 = arith.constant 128 : i32
    %mul3A_2 = arith.muli %add3A, %mul3A_1 : i32
    %add3A_3 = arith.constant 0 : i32
    %add3A_4 = arith.addi %mul3A_2, %add3A_3 : i32
    "tpu.region"() ({
      %run_scoped3A = tpu.sem_alloc : memref<!tpu.dma_semaphore, #tpu.memory_space<semaphore_mem>>
      %dma_start3A_109 = arith.constant 0 : i32
      %dma_start3A_110 = tpu.memref_slice %arg2[%add3A_4, %dma_start3A_109] : memref<4096x200xi32, #tpu.memory_space<hbm>> -> memref<1x200xi32, #tpu.memory_space<hbm>>
      %dma_start3A_111 = tpu.memref_squeeze %dma_start3A_110 : memref<1x200xi32, #tpu.memory_space<hbm>> -> memref<200xi32, #tpu.memory_space<hbm>>
      %dma_start3A_112 = arith.constant 0 : i32
      %dma_start3A_113 = tpu.memref_slice %arg2[%add3A_4, %dma_start3A_112] : memref<4096x200xi32, #tpu.memory_space<hbm>> -> memref<1x200xi32, #tpu.memory_space<hbm>>
      %dma_start3A_114 = tpu.memref_squeeze %dma_start3A_113 : memref<1x200xi32, #tpu.memory_space<hbm>> -> memref<200xi32, #tpu.memory_space<hbm>>
      tpu.enqueue_dma source(%dma_start3A_114 : memref<200xi32, #tpu.memory_space<hbm>>) target(%arg5 : memref<200xi32, #tpu.memory_space<vmem>>) target_semaphore(%run_scoped3A : memref<!tpu.dma_semaphore, #tpu.memory_space<semaphore_mem>>)
      %dma_wait3A_115 = arith.constant 0 : i32
      %dma_wait3A_116 = tpu.memref_slice %arg2[%add3A_4, %dma_wait3A_115] : memref<4096x200xi32, #tpu.memory_space<hbm>> -> memref<1x200xi32, #tpu.memory_space<hbm>>
      %dma_wait3A_117 = tpu.memref_squeeze %dma_wait3A_116 : memref<1x200xi32, #tpu.memory_space<hbm>> -> memref<200xi32, #tpu.memory_space<hbm>>
      %dma_wait3A_118 = arith.constant 0 : i32
      %dma_wait3A_119 = tpu.memref_slice %arg2[%add3A_4, %dma_wait3A_118] : memref<4096x200xi32, #tpu.memory_space<hbm>> -> memref<1x200xi32, #tpu.memory_space<hbm>>
      %dma_wait3A_120 = tpu.memref_squeeze %dma_wait3A_119 : memref<1x200xi32, #tpu.memory_space<hbm>> -> memref<200xi32, #tpu.memory_space<hbm>>
      tpu.wait_dma2 semaphore(%run_scoped3A : memref<!tpu.dma_semaphore, #tpu.memory_space<semaphore_mem>>) src(%dma_wait3A_120 : memref<200xi32, #tpu.memory_space<hbm>>) dst(%arg5 : memref<200xi32, #tpu.memory_space<vmem>>)
      tpu.yield
    }) : () -> ()
    %dma_start3A = arith.constant 0 : i32
    %dma_start3A_5 = arith.constant 0 : i32
    %dma_start3A_6 = tpu.memref_slice %arg7[%dma_start3A, %dma_start3A_5] : memref<200x64xf32, #tpu.memory_space<vmem>> -> memref<128x64xf32, #tpu.memory_space<vmem>>
    %dma_start3A_7 = arith.constant 0 : i32
    %dma_start3A_8 = tpu.memref_slice %arg5[%dma_start3A_7] : memref<200xi32, #tpu.memory_space<vmem>> -> memref<128xi32, #tpu.memory_space<vmem>>
    %dma_start3A_9 = arith.constant 0 : i32
    %dma_start3A_10 = arith.constant 0 : i32
    %dma_start3A_11 = tpu.memref_slice %arg3[%dma_start3A_9, %dma_start3A_10] : memref<100000x64xf32, #tpu.memory_space<hbm>> -> memref<100000x64xf32, #tpu.memory_space<hbm>>
    tpu.enqueue_indirect_dma source(%dma_start3A_11 : memref<100000x64xf32, #tpu.memory_space<hbm>>) target(%dma_start3A_6 : memref<128x64xf32, #tpu.memory_space<vmem>>) offsets(%dma_start3A_8 : memref<128xi32, #tpu.memory_space<vmem>>) semaphore(%arg9 : memref<!tpu.dma_semaphore, #tpu.memory_space<semaphore_mem>>)
    %dma_start3A_12 = arith.constant 128 : i32
    %dma_start3A_13 = arith.constant 0 : i32
    %dma_start3A_14 = tpu.memref_slice %arg7[%dma_start3A_12, %dma_start3A_13] : memref<200x64xf32, #tpu.memory_space<vmem>> -> memref<72x64xf32, #tpu.memory_space<vmem>>
    %dma_start3A_15 = arith.constant 128 : i32
    %dma_start3A_16 = tpu.memref_slice %arg5[%dma_start3A_15] : memref<200xi32, #tpu.memory_space<vmem>> -> memref<72xi32, #tpu.memory_space<vmem>>
    %dma_start3A_17 = arith.constant 0 : i32
    %dma_start3A_18 = arith.constant 0 : i32
    %dma_start3A_19 = tpu.memref_slice %arg3[%dma_start3A_17, %dma_start3A_18] : memref<100000x64xf32, #tpu.memory_space<hbm>> -> memref<100000x64xf32, #tpu.memory_space<hbm>>
    tpu.enqueue_indirect_dma source(%dma_start3A_19 : memref<100000x64xf32, #tpu.memory_space<hbm>>) target(%dma_start3A_14 : memref<72x64xf32, #tpu.memory_space<vmem>>) offsets(%dma_start3A_16 : memref<72xi32, #tpu.memory_space<vmem>>) semaphore(%arg9 : memref<!tpu.dma_semaphore, #tpu.memory_space<semaphore_mem>>)
    %add3A_20 = arith.constant 1 : i32
    %add3A_21 = arith.addi %mul3A_2, %add3A_20 : i32
    "tpu.region"() ({
      %run_scoped3A = tpu.sem_alloc : memref<!tpu.dma_semaphore, #tpu.memory_space<semaphore_mem>>
      %dma_start3A_109 = arith.constant 0 : i32
      %dma_start3A_110 = tpu.memref_slice %arg2[%add3A_21, %dma_start3A_109] : memref<4096x200xi32, #tpu.memory_space<hbm>> -> memref<1x200xi32, #tpu.memory_space<hbm>>
      %dma_start3A_111 = tpu.memref_squeeze %dma_start3A_110 : memref<1x200xi32, #tpu.memory_space<hbm>> -> memref<200xi32, #tpu.memory_space<hbm>>
      %dma_start3A_112 = arith.constant 0 : i32
      %dma_start3A_113 = tpu.memref_slice %arg2[%add3A_21, %dma_start3A_112] : memref<4096x200xi32, #tpu.memory_space<hbm>> -> memref<1x200xi32, #tpu.memory_space<hbm>>
      %dma_start3A_114 = tpu.memref_squeeze %dma_start3A_113 : memref<1x200xi32, #tpu.memory_space<hbm>> -> memref<200xi32, #tpu.memory_space<hbm>>
      tpu.enqueue_dma source(%dma_start3A_114 : memref<200xi32, #tpu.memory_space<hbm>>) target(%arg6 : memref<200xi32, #tpu.memory_space<vmem>>) target_semaphore(%run_scoped3A : memref<!tpu.dma_semaphore, #tpu.memory_space<semaphore_mem>>)
      %dma_wait3A_115 = arith.constant 0 : i32
      %dma_wait3A_116 = tpu.memref_slice %arg2[%add3A_21, %dma_wait3A_115] : memref<4096x200xi32, #tpu.memory_space<hbm>> -> memref<1x200xi32, #tpu.memory_space<hbm>>
      %dma_wait3A_117 = tpu.memref_squeeze %dma_wait3A_116 : memref<1x200xi32, #tpu.memory_space<hbm>> -> memref<200xi32, #tpu.memory_space<hbm>>
      %dma_wait3A_118 = arith.constant 0 : i32
      %dma_wait3A_119 = tpu.memref_slice %arg2[%add3A_21, %dma_wait3A_118] : memref<4096x200xi32, #tpu.memory_space<hbm>> -> memref<1x200xi32, #tpu.memory_space<hbm>>
      %dma_wait3A_120 = tpu.memref_squeeze %dma_wait3A_119 : memref<1x200xi32, #tpu.memory_space<hbm>> -> memref<200xi32, #tpu.memory_space<hbm>>
      tpu.wait_dma2 semaphore(%run_scoped3A : memref<!tpu.dma_semaphore, #tpu.memory_space<semaphore_mem>>) src(%dma_wait3A_120 : memref<200xi32, #tpu.memory_space<hbm>>) dst(%arg6 : memref<200xi32, #tpu.memory_space<vmem>>)
      tpu.yield
    }) : () -> ()
    %dma_start3A_22 = arith.constant 0 : i32
    %dma_start3A_23 = arith.constant 0 : i32
    %dma_start3A_24 = tpu.memref_slice %arg8[%dma_start3A_22, %dma_start3A_23] : memref<200x64xf32, #tpu.memory_space<vmem>> -> memref<128x64xf32, #tpu.memory_space<vmem>>
    %dma_start3A_25 = arith.constant 0 : i32
    %dma_start3A_26 = tpu.memref_slice %arg6[%dma_start3A_25] : memref<200xi32, #tpu.memory_space<vmem>> -> memref<128xi32, #tpu.memory_space<vmem>>
    %dma_start3A_27 = arith.constant 0 : i32
    %dma_start3A_28 = arith.constant 0 : i32
    %dma_start3A_29 = tpu.memref_slice %arg3[%dma_start3A_27, %dma_start3A_28] : memref<100000x64xf32, #tpu.memory_space<hbm>> -> memref<100000x64xf32, #tpu.memory_space<hbm>>
    tpu.enqueue_indirect_dma source(%dma_start3A_29 : memref<100000x64xf32, #tpu.memory_space<hbm>>) target(%dma_start3A_24 : memref<128x64xf32, #tpu.memory_space<vmem>>) offsets(%dma_start3A_26 : memref<128xi32, #tpu.memory_space<vmem>>) semaphore(%arg10 : memref<!tpu.dma_semaphore, #tpu.memory_space<semaphore_mem>>)
    %dma_start3A_30 = arith.constant 128 : i32
    %dma_start3A_31 = arith.constant 0 : i32
    %dma_start3A_32 = tpu.memref_slice %arg8[%dma_start3A_30, %dma_start3A_31] : memref<200x64xf32, #tpu.memory_space<vmem>> -> memref<72x64xf32, #tpu.memory_space<vmem>>
    %dma_start3A_33 = arith.constant 128 : i32
    %dma_start3A_34 = tpu.memref_slice %arg6[%dma_start3A_33] : memref<200xi32, #tpu.memory_space<vmem>> -> memref<72xi32, #tpu.memory_space<vmem>>
    %dma_start3A_35 = arith.constant 0 : i32
    %dma_start3A_36 = arith.constant 0 : i32
    %dma_start3A_37 = tpu.memref_slice %arg3[%dma_start3A_35, %dma_start3A_36] : memref<100000x64xf32, #tpu.memory_space<hbm>> -> memref<100000x64xf32, #tpu.memory_space<hbm>>
    tpu.enqueue_indirect_dma source(%dma_start3A_37 : memref<100000x64xf32, #tpu.memory_space<hbm>>) target(%dma_start3A_32 : memref<72x64xf32, #tpu.memory_space<vmem>>) offsets(%dma_start3A_34 : memref<72xi32, #tpu.memory_space<vmem>>) semaphore(%arg10 : memref<!tpu.dma_semaphore, #tpu.memory_space<semaphore_mem>>)
    %dma_wait3A = arith.constant 0 : i32
    %dma_wait3A_38 = arith.constant 0 : i32
    %dma_wait3A_39 = tpu.memref_slice %arg7[%dma_wait3A, %dma_wait3A_38] : memref<200x64xf32, #tpu.memory_space<vmem>> -> memref<128x64xf32, #tpu.memory_space<vmem>>
    %dma_wait3A_40 = arith.constant 0 : i32
    %dma_wait3A_41 = tpu.memref_slice %arg5[%dma_wait3A_40] : memref<200xi32, #tpu.memory_space<vmem>> -> memref<128xi32, #tpu.memory_space<vmem>>
    %dma_wait3A_42 = arith.constant 0 : i32
    %dma_wait3A_43 = arith.constant 0 : i32
    %dma_wait3A_44 = tpu.memref_slice %arg3[%dma_wait3A_42, %dma_wait3A_43] : memref<100000x64xf32, #tpu.memory_space<hbm>> -> memref<100000x64xf32, #tpu.memory_space<hbm>>
    tpu.wait_indirect_dma semaphore(%arg9 : memref<!tpu.dma_semaphore, #tpu.memory_space<semaphore_mem>>) src(%dma_wait3A_44 : memref<100000x64xf32, #tpu.memory_space<hbm>>) dst(%dma_wait3A_39 : memref<128x64xf32, #tpu.memory_space<vmem>>)
    %dma_wait3A_45 = arith.constant 128 : i32
    %dma_wait3A_46 = arith.constant 0 : i32
    %dma_wait3A_47 = tpu.memref_slice %arg7[%dma_wait3A_45, %dma_wait3A_46] : memref<200x64xf32, #tpu.memory_space<vmem>> -> memref<72x64xf32, #tpu.memory_space<vmem>>
    %dma_wait3A_48 = arith.constant 128 : i32
    %dma_wait3A_49 = tpu.memref_slice %arg5[%dma_wait3A_48] : memref<200xi32, #tpu.memory_space<vmem>> -> memref<72xi32, #tpu.memory_space<vmem>>
    %dma_wait3A_50 = arith.constant 0 : i32
    %dma_wait3A_51 = arith.constant 0 : i32
    %dma_wait3A_52 = tpu.memref_slice %arg3[%dma_wait3A_50, %dma_wait3A_51] : memref<100000x64xf32, #tpu.memory_space<hbm>> -> memref<100000x64xf32, #tpu.memory_space<hbm>>
    tpu.wait_indirect_dma semaphore(%arg9 : memref<!tpu.dma_semaphore, #tpu.memory_space<semaphore_mem>>) src(%dma_wait3A_52 : memref<100000x64xf32, #tpu.memory_space<hbm>>) dst(%dma_wait3A_47 : memref<72x64xf32, #tpu.memory_space<vmem>>)
    %add3A_53 = arith.constant 0 : i32
    %add3A_54 = arith.addi %mul3A_2, %add3A_53 : i32
    %mul3A_55 = arith.constant 200 : i32
    %mul3A_56 = arith.muli %add3A_54, %mul3A_55 : i32
    %multiple_of3A = tpu.assume_multiple %mul3A_56, 200 : i32
    %dma_start3A_57 = arith.constant 0 : i32
    %dma_start3A_58 = tpu.memref_slice %arg4[%multiple_of3A, %dma_start3A_57] : memref<819200x128xf32, #tpu.memory_space<hbm>> -> memref<200x64xf32, #tpu.memory_space<hbm>>
    %dma_start3A_59 = arith.constant 0 : i32
    %dma_start3A_60 = tpu.memref_slice %arg4[%multiple_of3A, %dma_start3A_59] : memref<819200x128xf32, #tpu.memory_space<hbm>> -> memref<200x64xf32, #tpu.memory_space<hbm>>
    tpu.enqueue_dma source(%arg7 : memref<200x64xf32, #tpu.memory_space<vmem>>) target(%dma_start3A_60 : memref<200x64xf32, #tpu.memory_space<hbm>>) target_semaphore(%arg11 : memref<!tpu.dma_semaphore, #tpu.memory_space<semaphore_mem>>)
    %scan3A = arith.constant 0 : i32
    %scan3A_61 = arith.constant 0 : i32
    %scan3A_62 = arith.constant 63 : i32
    %scan3A_63 = arith.addi %scan3A_61, %scan3A_62 : i32
    %scan3A_64 = arith.constant 1 : i32
    scf.for %scan3A_109 = %scan3A_61 to %scan3A_63 step %scan3A_64  : i32 {
      %mul3A_110 = arith.constant 2 : i32
      %mul3A_111 = arith.muli %mul3A_110, %scan3A_109 : i32
      %add3A_112 = arith.constant 1 : i32
      %add3A_113 = arith.addi %add3A_112, %mul3A_111 : i32
      %add3A_114 = arith.constant 0 : i32
      %add3A_115 = arith.addi %add3A_113, %add3A_114 : i32
      %add3A_116 = arith.constant 1 : i32
      %add3A_117 = arith.addi %add3A_115, %add3A_116 : i32
      %add3A_118 = arith.addi %mul3A_2, %add3A_117 : i32
      "tpu.region"() ({
        %run_scoped3A = tpu.sem_alloc : memref<!tpu.dma_semaphore, #tpu.memory_space<semaphore_mem>>
        %dma_start3A_227 = arith.constant 0 : i32
        %dma_start3A_228 = tpu.memref_slice %arg2[%add3A_118, %dma_start3A_227] : memref<4096x200xi32, #tpu.memory_space<hbm>> -> memref<1x200xi32, #tpu.memory_space<hbm>>
        %dma_start3A_229 = tpu.memref_squeeze %dma_start3A_228 : memref<1x200xi32, #tpu.memory_space<hbm>> -> memref<200xi32, #tpu.memory_space<hbm>>
        %dma_start3A_230 = arith.constant 0 : i32
        %dma_start3A_231 = tpu.memref_slice %arg2[%add3A_118, %dma_start3A_230] : memref<4096x200xi32, #tpu.memory_space<hbm>> -> memref<1x200xi32, #tpu.memory_space<hbm>>
        %dma_start3A_232 = tpu.memref_squeeze %dma_start3A_231 : memref<1x200xi32, #tpu.memory_space<hbm>> -> memref<200xi32, #tpu.memory_space<hbm>>
        tpu.enqueue_dma source(%dma_start3A_232 : memref<200xi32, #tpu.memory_space<hbm>>) target(%arg5 : memref<200xi32, #tpu.memory_space<vmem>>) target_semaphore(%run_scoped3A : memref<!tpu.dma_semaphore, #tpu.memory_space<semaphore_mem>>)
        %dma_wait3A_233 = arith.constant 0 : i32
        %dma_wait3A_234 = tpu.memref_slice %arg2[%add3A_118, %dma_wait3A_233] : memref<4096x200xi32, #tpu.memory_space<hbm>> -> memref<1x200xi32, #tpu.memory_space<hbm>>
        %dma_wait3A_235 = tpu.memref_squeeze %dma_wait3A_234 : memref<1x200xi32, #tpu.memory_space<hbm>> -> memref<200xi32, #tpu.memory_space<hbm>>
        %dma_wait3A_236 = arith.constant 0 : i32
        %dma_wait3A_237 = tpu.memref_slice %arg2[%add3A_118, %dma_wait3A_236] : memref<4096x200xi32, #tpu.memory_space<hbm>> -> memref<1x200xi32, #tpu.memory_space<hbm>>
        %dma_wait3A_238 = tpu.memref_squeeze %dma_wait3A_237 : memref<1x200xi32, #tpu.memory_space<hbm>> -> memref<200xi32, #tpu.memory_space<hbm>>
        tpu.wait_dma2 semaphore(%run_scoped3A : memref<!tpu.dma_semaphore, #tpu.memory_space<semaphore_mem>>) src(%dma_wait3A_238 : memref<200xi32, #tpu.memory_space<hbm>>) dst(%arg5 : memref<200xi32, #tpu.memory_space<vmem>>)
        tpu.yield
      }) : () -> ()
      %sub3A = arith.constant 1 : i32
      %sub3A_119 = arith.subi %add3A_115, %sub3A : i32
      %add3A_120 = arith.addi %mul3A_2, %sub3A_119 : i32
      %mul3A_121 = arith.constant 200 : i32
      %mul3A_122 = arith.muli %add3A_120, %mul3A_121 : i32
      %multiple_of3A_123 = tpu.assume_multiple %mul3A_122, 200 : i32
      %dma_wait3A_124 = arith.constant 0 : i32
      %dma_wait3A_125 = tpu.memref_slice %arg4[%multiple_of3A_123, %dma_wait3A_124] : memref<819200x128xf32, #tpu.memory_space<hbm>> -> memref<200x64xf32, #tpu.memory_space<hbm>>
      %dma_wait3A_126 = arith.constant 0 : i32
      %dma_wait3A_127 = tpu.memref_slice %arg4[%multiple_of3A_123, %dma_wait3A_126] : memref<819200x128xf32, #tpu.memory_space<hbm>> -> memref<200x64xf32, #tpu.memory_space<hbm>>
      tpu.wait_dma2 semaphore(%arg11 : memref<!tpu.dma_semaphore, #tpu.memory_space<semaphore_mem>>) src(%arg7 : memref<200x64xf32, #tpu.memory_space<vmem>>) dst(%dma_wait3A_127 : memref<200x64xf32, #tpu.memory_space<hbm>>)
      %dma_start3A_128 = arith.constant 0 : i32
      %dma_start3A_129 = arith.constant 0 : i32
      %dma_start3A_130 = tpu.memref_slice %arg7[%dma_start3A_128, %dma_start3A_129] : memref<200x64xf32, #tpu.memory_space<vmem>> -> memref<128x64xf32, #tpu.memory_space<vmem>>
      %dma_start3A_131 = arith.constant 0 : i32
      %dma_start3A_132 = tpu.memref_slice %arg5[%dma_start3A_131] : memref<200xi32, #tpu.memory_space<vmem>> -> memref<128xi32, #tpu.memory_space<vmem>>
      %dma_start3A_133 = arith.constant 0 : i32
      %dma_start3A_134 = arith.constant 0 : i32
      %dma_start3A_135 = tpu.memref_slice %arg3[%dma_start3A_133, %dma_start3A_134] : memref<100000x64xf32, #tpu.memory_space<hbm>> -> memref<100000x64xf32, #tpu.memory_space<hbm>>
      tpu.enqueue_indirect_dma source(%dma_start3A_135 : memref<100000x64xf32, #tpu.memory_space<hbm>>) target(%dma_start3A_130 : memref<128x64xf32, #tpu.memory_space<vmem>>) offsets(%dma_start3A_132 : memref<128xi32, #tpu.memory_space<vmem>>) semaphore(%arg9 : memref<!tpu.dma_semaphore, #tpu.memory_space<semaphore_mem>>)
      %dma_start3A_136 = arith.constant 128 : i32
      %dma_start3A_137 = arith.constant 0 : i32
      %dma_start3A_138 = tpu.memref_slice %arg7[%dma_start3A_136, %dma_start3A_137] : memref<200x64xf32, #tpu.memory_space<vmem>> -> memref<72x64xf32, #tpu.memory_space<vmem>>
      %dma_start3A_139 = arith.constant 128 : i32
      %dma_start3A_140 = tpu.memref_slice %arg5[%dma_start3A_139] : memref<200xi32, #tpu.memory_space<vmem>> -> memref<72xi32, #tpu.memory_space<vmem>>
      %dma_start3A_141 = arith.constant 0 : i32
      %dma_start3A_142 = arith.constant 0 : i32
      %dma_start3A_143 = tpu.memref_slice %arg3[%dma_start3A_141, %dma_start3A_142] : memref<100000x64xf32, #tpu.memory_space<hbm>> -> memref<100000x64xf32, #tpu.memory_space<hbm>>
      tpu.enqueue_indirect_dma source(%dma_start3A_143 : memref<100000x64xf32, #tpu.memory_space<hbm>>) target(%dma_start3A_138 : memref<72x64xf32, #tpu.memory_space<vmem>>) offsets(%dma_start3A_140 : memref<72xi32, #tpu.memory_space<vmem>>) semaphore(%arg9 : memref<!tpu.dma_semaphore, #tpu.memory_space<semaphore_mem>>)
      %dma_wait3A_144 = arith.constant 0 : i32
      %dma_wait3A_145 = arith.constant 0 : i32
      %dma_wait3A_146 = tpu.memref_slice %arg8[%dma_wait3A_144, %dma_wait3A_145] : memref<200x64xf32, #tpu.memory_space<vmem>> -> memref<128x64xf32, #tpu.memory_space<vmem>>
      %dma_wait3A_147 = arith.constant 0 : i32
      %dma_wait3A_148 = tpu.memref_slice %arg6[%dma_wait3A_147] : memref<200xi32, #tpu.memory_space<vmem>> -> memref<128xi32, #tpu.memory_space<vmem>>
      %dma_wait3A_149 = arith.constant 0 : i32
      %dma_wait3A_150 = arith.constant 0 : i32
      %dma_wait3A_151 = tpu.memref_slice %arg3[%dma_wait3A_149, %dma_wait3A_150] : memref<100000x64xf32, #tpu.memory_space<hbm>> -> memref<100000x64xf32, #tpu.memory_space<hbm>>
      tpu.wait_indirect_dma semaphore(%arg10 : memref<!tpu.dma_semaphore, #tpu.memory_space<semaphore_mem>>) src(%dma_wait3A_151 : memref<100000x64xf32, #tpu.memory_space<hbm>>) dst(%dma_wait3A_146 : memref<128x64xf32, #tpu.memory_space<vmem>>)
      %dma_wait3A_152 = arith.constant 128 : i32
      %dma_wait3A_153 = arith.constant 0 : i32
      %dma_wait3A_154 = tpu.memref_slice %arg8[%dma_wait3A_152, %dma_wait3A_153] : memref<200x64xf32, #tpu.memory_space<vmem>> -> memref<72x64xf32, #tpu.memory_space<vmem>>
      %dma_wait3A_155 = arith.constant 128 : i32
      %dma_wait3A_156 = tpu.memref_slice %arg6[%dma_wait3A_155] : memref<200xi32, #tpu.memory_space<vmem>> -> memref<72xi32, #tpu.memory_space<vmem>>
      %dma_wait3A_157 = arith.constant 0 : i32
      %dma_wait3A_158 = arith.constant 0 : i32
      %dma_wait3A_159 = tpu.memref_slice %arg3[%dma_wait3A_157, %dma_wait3A_158] : memref<100000x64xf32, #tpu.memory_space<hbm>> -> memref<100000x64xf32, #tpu.memory_space<hbm>>
      tpu.wait_indirect_dma semaphore(%arg10 : memref<!tpu.dma_semaphore, #tpu.memory_space<semaphore_mem>>) src(%dma_wait3A_159 : memref<100000x64xf32, #tpu.memory_space<hbm>>) dst(%dma_wait3A_154 : memref<72x64xf32, #tpu.memory_space<vmem>>)
      %add3A_160 = arith.addi %mul3A_2, %add3A_115 : i32
      %mul3A_161 = arith.constant 200 : i32
      %mul3A_162 = arith.muli %add3A_160, %mul3A_161 : i32
      %multiple_of3A_163 = tpu.assume_multiple %mul3A_162, 200 : i32
      %dma_start3A_164 = arith.constant 0 : i32
      %dma_start3A_165 = tpu.memref_slice %arg4[%multiple_of3A_163, %dma_start3A_164] : memref<819200x128xf32, #tpu.memory_space<hbm>> -> memref<200x64xf32, #tpu.memory_space<hbm>>
      %dma_start3A_166 = arith.constant 0 : i32
      %dma_start3A_167 = tpu.memref_slice %arg4[%multiple_of3A_163, %dma_start3A_166] : memref<819200x128xf32, #tpu.memory_space<hbm>> -> memref<200x64xf32, #tpu.memory_space<hbm>>
      tpu.enqueue_dma source(%arg8 : memref<200x64xf32, #tpu.memory_space<vmem>>) target(%dma_start3A_167 : memref<200x64xf32, #tpu.memory_space<hbm>>) target_semaphore(%arg12 : memref<!tpu.dma_semaphore, #tpu.memory_space<semaphore_mem>>)
      %mul3A_168 = arith.constant 2 : i32
      %mul3A_169 = arith.muli %mul3A_168, %scan3A_109 : i32
      %add3A_170 = arith.constant 1 : i32
      %add3A_171 = arith.addi %add3A_170, %mul3A_169 : i32
      %add3A_172 = arith.constant 1 : i32
      %add3A_173 = arith.addi %add3A_171, %add3A_172 : i32
      %add3A_174 = arith.constant 1 : i32
      %add3A_175 = arith.addi %add3A_173, %add3A_174 : i32
      %add3A_176 = arith.addi %mul3A_2, %add3A_175 : i32
      "tpu.region"() ({
        %run_scoped3A = tpu.sem_alloc : memref<!tpu.dma_semaphore, #tpu.memory_space<semaphore_mem>>
        %dma_start3A_227 = arith.constant 0 : i32
        %dma_start3A_228 = tpu.memref_slice %arg2[%add3A_176, %dma_start3A_227] : memref<4096x200xi32, #tpu.memory_space<hbm>> -> memref<1x200xi32, #tpu.memory_space<hbm>>
        %dma_start3A_229 = tpu.memref_squeeze %dma_start3A_228 : memref<1x200xi32, #tpu.memory_space<hbm>> -> memref<200xi32, #tpu.memory_space<hbm>>
        %dma_start3A_230 = arith.constant 0 : i32
        %dma_start3A_231 = tpu.memref_slice %arg2[%add3A_176, %dma_start3A_230] : memref<4096x200xi32, #tpu.memory_space<hbm>> -> memref<1x200xi32, #tpu.memory_space<hbm>>
        %dma_start3A_232 = tpu.memref_squeeze %dma_start3A_231 : memref<1x200xi32, #tpu.memory_space<hbm>> -> memref<200xi32, #tpu.memory_space<hbm>>
        tpu.enqueue_dma source(%dma_start3A_232 : memref<200xi32, #tpu.memory_space<hbm>>) target(%arg6 : memref<200xi32, #tpu.memory_space<vmem>>) target_semaphore(%run_scoped3A : memref<!tpu.dma_semaphore, #tpu.memory_space<semaphore_mem>>)
        %dma_wait3A_233 = arith.constant 0 : i32
        %dma_wait3A_234 = tpu.memref_slice %arg2[%add3A_176, %dma_wait3A_233] : memref<4096x200xi32, #tpu.memory_space<hbm>> -> memref<1x200xi32, #tpu.memory_space<hbm>>
        %dma_wait3A_235 = tpu.memref_squeeze %dma_wait3A_234 : memref<1x200xi32, #tpu.memory_space<hbm>> -> memref<200xi32, #tpu.memory_space<hbm>>
        %dma_wait3A_236 = arith.constant 0 : i32
        %dma_wait3A_237 = tpu.memref_slice %arg2[%add3A_176, %dma_wait3A_236] : memref<4096x200xi32, #tpu.memory_space<hbm>> -> memref<1x200xi32, #tpu.memory_space<hbm>>
        %dma_wait3A_238 = tpu.memref_squeeze %dma_wait3A_237 : memref<1x200xi32, #tpu.memory_space<hbm>> -> memref<200xi32, #tpu.memory_space<hbm>>
        tpu.wait_dma2 semaphore(%run_scoped3A : memref<!tpu.dma_semaphore, #tpu.memory_space<semaphore_mem>>) src(%dma_wait3A_238 : memref<200xi32, #tpu.memory_space<hbm>>) dst(%arg6 : memref<200xi32, #tpu.memory_space<vmem>>)
        tpu.yield
      }) : () -> ()
      %sub3A_177 = arith.constant 1 : i32
      %sub3A_178 = arith.subi %add3A_173, %sub3A_177 : i32
      %add3A_179 = arith.addi %mul3A_2, %sub3A_178 : i32
      %mul3A_180 = arith.constant 200 : i32
      %mul3A_181 = arith.muli %add3A_179, %mul3A_180 : i32
      %multiple_of3A_182 = tpu.assume_multiple %mul3A_181, 200 : i32
      %dma_wait3A_183 = arith.constant 0 : i32
      %dma_wait3A_184 = tpu.memref_slice %arg4[%multiple_of3A_182, %dma_wait3A_183] : memref<819200x128xf32, #tpu.memory_space<hbm>> -> memref<200x64xf32, #tpu.memory_space<hbm>>
      %dma_wait3A_185 = arith.constant 0 : i32
      %dma_wait3A_186 = tpu.memref_slice %arg4[%multiple_of3A_182, %dma_wait3A_185] : memref<819200x128xf32, #tpu.memory_space<hbm>> -> memref<200x64xf32, #tpu.memory_space<hbm>>
      tpu.wait_dma2 semaphore(%arg12 : memref<!tpu.dma_semaphore, #tpu.memory_space<semaphore_mem>>) src(%arg8 : memref<200x64xf32, #tpu.memory_space<vmem>>) dst(%dma_wait3A_186 : memref<200x64xf32, #tpu.memory_space<hbm>>)
      %dma_start3A_187 = arith.constant 0 : i32
      %dma_start3A_188 = arith.constant 0 : i32
      %dma_start3A_189 = tpu.memref_slice %arg8[%dma_start3A_187, %dma_start3A_188] : memref<200x64xf32, #tpu.memory_space<vmem>> -> memref<128x64xf32, #tpu.memory_space<vmem>>
      %dma_start3A_190 = arith.constant 0 : i32
      %dma_start3A_191 = tpu.memref_slice %arg6[%dma_start3A_190] : memref<200xi32, #tpu.memory_space<vmem>> -> memref<128xi32, #tpu.memory_space<vmem>>
      %dma_start3A_192 = arith.constant 0 : i32
      %dma_start3A_193 = arith.constant 0 : i32
      %dma_start3A_194 = tpu.memref_slice %arg3[%dma_start3A_192, %dma_start3A_193] : memref<100000x64xf32, #tpu.memory_space<hbm>> -> memref<100000x64xf32, #tpu.memory_space<hbm>>
      tpu.enqueue_indirect_dma source(%dma_start3A_194 : memref<100000x64xf32, #tpu.memory_space<hbm>>) target(%dma_start3A_189 : memref<128x64xf32, #tpu.memory_space<vmem>>) offsets(%dma_start3A_191 : memref<128xi32, #tpu.memory_space<vmem>>) semaphore(%arg10 : memref<!tpu.dma_semaphore, #tpu.memory_space<semaphore_mem>>)
      %dma_start3A_195 = arith.constant 128 : i32
      %dma_start3A_196 = arith.constant 0 : i32
      %dma_start3A_197 = tpu.memref_slice %arg8[%dma_start3A_195, %dma_start3A_196] : memref<200x64xf32, #tpu.memory_space<vmem>> -> memref<72x64xf32, #tpu.memory_space<vmem>>
      %dma_start3A_198 = arith.constant 128 : i32
      %dma_start3A_199 = tpu.memref_slice %arg6[%dma_start3A_198] : memref<200xi32, #tpu.memory_space<vmem>> -> memref<72xi32, #tpu.memory_space<vmem>>
      %dma_start3A_200 = arith.constant 0 : i32
      %dma_start3A_201 = arith.constant 0 : i32
      %dma_start3A_202 = tpu.memref_slice %arg3[%dma_start3A_200, %dma_start3A_201] : memref<100000x64xf32, #tpu.memory_space<hbm>> -> memref<100000x64xf32, #tpu.memory_space<hbm>>
      tpu.enqueue_indirect_dma source(%dma_start3A_202 : memref<100000x64xf32, #tpu.memory_space<hbm>>) target(%dma_start3A_197 : memref<72x64xf32, #tpu.memory_space<vmem>>) offsets(%dma_start3A_199 : memref<72xi32, #tpu.memory_space<vmem>>) semaphore(%arg10 : memref<!tpu.dma_semaphore, #tpu.memory_space<semaphore_mem>>)
      %dma_wait3A_203 = arith.constant 0 : i32
      %dma_wait3A_204 = arith.constant 0 : i32
      %dma_wait3A_205 = tpu.memref_slice %arg7[%dma_wait3A_203, %dma_wait3A_204] : memref<200x64xf32, #tpu.memory_space<vmem>> -> memref<128x64xf32, #tpu.memory_space<vmem>>
      %dma_wait3A_206 = arith.constant 0 : i32
      %dma_wait3A_207 = tpu.memref_slice %arg5[%dma_wait3A_206] : memref<200xi32, #tpu.memory_space<vmem>> -> memref<128xi32, #tpu.memory_space<vmem>>
      %dma_wait3A_208 = arith.constant 0 : i32
      %dma_wait3A_209 = arith.constant 0 : i32
      %dma_wait3A_210 = tpu.memref_slice %arg3[%dma_wait3A_208, %dma_wait3A_209] : memref<100000x64xf32, #tpu.memory_space<hbm>> -> memref<100000x64xf32, #tpu.memory_space<hbm>>
      tpu.wait_indirect_dma semaphore(%arg9 : memref<!tpu.dma_semaphore, #tpu.memory_space<semaphore_mem>>) src(%dma_wait3A_210 : memref<100000x64xf32, #tpu.memory_space<hbm>>) dst(%dma_wait3A_205 : memref<128x64xf32, #tpu.memory_space<vmem>>)
      %dma_wait3A_211 = arith.constant 128 : i32
      %dma_wait3A_212 = arith.constant 0 : i32
      %dma_wait3A_213 = tpu.memref_slice %arg7[%dma_wait3A_211, %dma_wait3A_212] : memref<200x64xf32, #tpu.memory_space<vmem>> -> memref<72x64xf32, #tpu.memory_space<vmem>>
      %dma_wait3A_214 = arith.constant 128 : i32
      %dma_wait3A_215 = tpu.memref_slice %arg5[%dma_wait3A_214] : memref<200xi32, #tpu.memory_space<vmem>> -> memref<72xi32, #tpu.memory_space<vmem>>
      %dma_wait3A_216 = arith.constant 0 : i32
      %dma_wait3A_217 = arith.constant 0 : i32
      %dma_wait3A_218 = tpu.memref_slice %arg3[%dma_wait3A_216, %dma_wait3A_217] : memref<100000x64xf32, #tpu.memory_space<hbm>> -> memref<100000x64xf32, #tpu.memory_space<hbm>>
      tpu.wait_indirect_dma semaphore(%arg9 : memref<!tpu.dma_semaphore, #tpu.memory_space<semaphore_mem>>) src(%dma_wait3A_218 : memref<100000x64xf32, #tpu.memory_space<hbm>>) dst(%dma_wait3A_213 : memref<72x64xf32, #tpu.memory_space<vmem>>)
      %add3A_219 = arith.addi %mul3A_2, %add3A_173 : i32
      %mul3A_220 = arith.constant 200 : i32
      %mul3A_221 = arith.muli %add3A_219, %mul3A_220 : i32
      %multiple_of3A_222 = tpu.assume_multiple %mul3A_221, 200 : i32
      %dma_start3A_223 = arith.constant 0 : i32
      %dma_start3A_224 = tpu.memref_slice %arg4[%multiple_of3A_222, %dma_start3A_223] : memref<819200x128xf32, #tpu.memory_space<hbm>> -> memref<200x64xf32, #tpu.memory_space<hbm>>
      %dma_start3A_225 = arith.constant 0 : i32
      %dma_start3A_226 = tpu.memref_slice %arg4[%multiple_of3A_222, %dma_start3A_225] : memref<819200x128xf32, #tpu.memory_space<hbm>> -> memref<200x64xf32, #tpu.memory_space<hbm>>
      tpu.enqueue_dma source(%arg7 : memref<200x64xf32, #tpu.memory_space<vmem>>) target(%dma_start3A_226 : memref<200x64xf32, #tpu.memory_space<hbm>>) target_semaphore(%arg11 : memref<!tpu.dma_semaphore, #tpu.memory_space<semaphore_mem>>)
    }
    %scan3A_65 = arith.constant 63 : i32
    %add3A_66 = arith.constant 126 : i32
    %add3A_67 = arith.addi %mul3A_2, %add3A_66 : i32
    %mul3A_68 = arith.constant 200 : i32
    %mul3A_69 = arith.muli %add3A_67, %mul3A_68 : i32
    %multiple_of3A_70 = tpu.assume_multiple %mul3A_69, 200 : i32
    %dma_wait3A_71 = arith.constant 0 : i32
    %dma_wait3A_72 = tpu.memref_slice %arg4[%multiple_of3A_70, %dma_wait3A_71] : memref<819200x128xf32, #tpu.memory_space<hbm>> -> memref<200x64xf32, #tpu.memory_space<hbm>>
    %dma_wait3A_73 = arith.constant 0 : i32
    %dma_wait3A_74 = tpu.memref_slice %arg4[%multiple_of3A_70, %dma_wait3A_73] : memref<819200x128xf32, #tpu.memory_space<hbm>> -> memref<200x64xf32, #tpu.memory_space<hbm>>
    tpu.wait_dma2 semaphore(%arg11 : memref<!tpu.dma_semaphore, #tpu.memory_space<semaphore_mem>>) src(%arg7 : memref<200x64xf32, #tpu.memory_space<vmem>>) dst(%dma_wait3A_74 : memref<200x64xf32, #tpu.memory_space<hbm>>)
    %dma_wait3A_75 = arith.constant 0 : i32
    %dma_wait3A_76 = arith.constant 0 : i32
    %dma_wait3A_77 = tpu.memref_slice %arg8[%dma_wait3A_75, %dma_wait3A_76] : memref<200x64xf32, #tpu.memory_space<vmem>> -> memref<128x64xf32, #tpu.memory_space<vmem>>
    %dma_wait3A_78 = arith.constant 0 : i32
    %dma_wait3A_79 = tpu.memref_slice %arg6[%dma_wait3A_78] : memref<200xi32, #tpu.memory_space<vmem>> -> memref<128xi32, #tpu.memory_space<vmem>>
    %dma_wait3A_80 = arith.constant 0 : i32
    %dma_wait3A_81 = arith.constant 0 : i32
    %dma_wait3A_82 = tpu.memref_slice %arg3[%dma_wait3A_80, %dma_wait3A_81] : memref<100000x64xf32, #tpu.memory_space<hbm>> -> memref<100000x64xf32, #tpu.memory_space<hbm>>
    tpu.wait_indirect_dma semaphore(%arg10 : memref<!tpu.dma_semaphore, #tpu.memory_space<semaphore_mem>>) src(%dma_wait3A_82 : memref<100000x64xf32, #tpu.memory_space<hbm>>) dst(%dma_wait3A_77 : memref<128x64xf32, #tpu.memory_space<vmem>>)
    %dma_wait3A_83 = arith.constant 128 : i32
    %dma_wait3A_84 = arith.constant 0 : i32
    %dma_wait3A_85 = tpu.memref_slice %arg8[%dma_wait3A_83, %dma_wait3A_84] : memref<200x64xf32, #tpu.memory_space<vmem>> -> memref<72x64xf32, #tpu.memory_space<vmem>>
    %dma_wait3A_86 = arith.constant 128 : i32
    %dma_wait3A_87 = tpu.memref_slice %arg6[%dma_wait3A_86] : memref<200xi32, #tpu.memory_space<vmem>> -> memref<72xi32, #tpu.memory_space<vmem>>
    %dma_wait3A_88 = arith.constant 0 : i32
    %dma_wait3A_89 = arith.constant 0 : i32
    %dma_wait3A_90 = tpu.memref_slice %arg3[%dma_wait3A_88, %dma_wait3A_89] : memref<100000x64xf32, #tpu.memory_space<hbm>> -> memref<100000x64xf32, #tpu.memory_space<hbm>>
    tpu.wait_indirect_dma semaphore(%arg10 : memref<!tpu.dma_semaphore, #tpu.memory_space<semaphore_mem>>) src(%dma_wait3A_90 : memref<100000x64xf32, #tpu.memory_space<hbm>>) dst(%dma_wait3A_85 : memref<72x64xf32, #tpu.memory_space<vmem>>)
    %add3A_91 = arith.constant 127 : i32
    %add3A_92 = arith.addi %mul3A_2, %add3A_91 : i32
    %mul3A_93 = arith.constant 200 : i32
    %mul3A_94 = arith.muli %add3A_92, %mul3A_93 : i32
    %multiple_of3A_95 = tpu.assume_multiple %mul3A_94, 200 : i32
    %dma_start3A_96 = arith.constant 0 : i32
    %dma_start3A_97 = tpu.memref_slice %arg4[%multiple_of3A_95, %dma_start3A_96] : memref<819200x128xf32, #tpu.memory_space<hbm>> -> memref<200x64xf32, #tpu.memory_space<hbm>>
    %dma_start3A_98 = arith.constant 0 : i32
    %dma_start3A_99 = tpu.memref_slice %arg4[%multiple_of3A_95, %dma_start3A_98] : memref<819200x128xf32, #tpu.memory_space<hbm>> -> memref<200x64xf32, #tpu.memory_space<hbm>>
    tpu.enqueue_dma source(%arg8 : memref<200x64xf32, #tpu.memory_space<vmem>>) target(%dma_start3A_99 : memref<200x64xf32, #tpu.memory_space<hbm>>) target_semaphore(%arg12 : memref<!tpu.dma_semaphore, #tpu.memory_space<semaphore_mem>>)
    %add3A_100 = arith.constant 127 : i32
    %add3A_101 = arith.addi %mul3A_2, %add3A_100 : i32
    %mul3A_102 = arith.constant 200 : i32
    %mul3A_103 = arith.muli %add3A_101, %mul3A_102 : i32
    %multiple_of3A_104 = tpu.assume_multiple %mul3A_103, 200 : i32
    %dma_wait3A_105 = arith.constant 0 : i32
    %dma_wait3A_106 = tpu.memref_slice %arg4[%multiple_of3A_104, %dma_wait3A_105] : memref<819200x128xf32, #tpu.memory_space<hbm>> -> memref<200x64xf32, #tpu.memory_space<hbm>>
    %dma_wait3A_107 = arith.constant 0 : i32
    %dma_wait3A_108 = tpu.memref_slice %arg4[%multiple_of3A_104, %dma_wait3A_107] : memref<819200x128xf32, #tpu.memory_space<hbm>> -> memref<200x64xf32, #tpu.memory_space<hbm>>
    tpu.wait_dma2 semaphore(%arg12 : memref<!tpu.dma_semaphore, #tpu.memory_space<semaphore_mem>>) src(%arg8 : memref<200x64xf32, #tpu.memory_space<vmem>>) dst(%dma_wait3A_108 : memref<200x64xf32, #tpu.memory_space<hbm>>)
    return
  }
}

module attributes {stable_mosaic.version = 14 : i64} {
  func.func @_tc_body(%arg0: i32, %arg1: memref<3200x128xf32, #tpu.memory_space<vmem>>, %arg2: memref<16x200xi32, #tpu.memory_space<vmem>>, %arg3: memref<200x64xf32, #tpu.memory_space<vmem>>, %arg4: memref<2x64xf32, #tpu.memory_space<vmem>>, %arg5: memref<64xf32, #tpu.memory_space<vmem>>, %arg6: memref<64xf32, #tpu.memory_space<vmem>>, %arg7: memref<3200x64xf32, #tpu.memory_space<vmem>>) attributes {dimension_semantics = [#tpu.dimension_semantics<arbitrary>], iteration_bounds = array<i64: 256>, scalar_prefetch = 0 : i64, scratch_operands = 0 : i64, tpu.core_type = #tpu.core_type<tc>, window_params = [{transform_indices = @transform_0, window_bounds = array<i64: 3200, 128>}, {transform_indices = @transform_1, window_bounds = array<i64: 16, 200>}, {pipeline_mode = #tpu.pipeline_mode<synchronous>, transform_indices = @transform_2, window_bounds = array<i64: 200, 64>}, {pipeline_mode = #tpu.pipeline_mode<synchronous>, transform_indices = @transform_3, window_bounds = array<i64: 2, 64>}, {pipeline_mode = #tpu.pipeline_mode<synchronous>, transform_indices = @transform_4, window_bounds = array<i64: 64>}, {pipeline_mode = #tpu.pipeline_mode<synchronous>, transform_indices = @transform_5, window_bounds = array<i64: 64>}, {transform_indices = @transform_6, window_bounds = array<i64: 3200, 64>}]} {
    %get3A = arith.constant 0 : index
    %get3A_0 = arith.constant 0 : index
    %get3A_1 = vector.load %arg1[%get3A, %get3A_0] : memref<3200x128xf32, #tpu.memory_space<vmem>>, vector<3200x128xf32>
    %slice3A = vector.extract_strided_slice %get3A_1 {offsets = [0, 0], sizes = [3200, 64], strides = [1, 1]} : vector<3200x128xf32> to vector<3200x64xf32>
    %reshape3A = vector.shape_cast %slice3A : vector<3200x64xf32> to vector<16x200x64xf32>
    %get3A_2 = arith.constant 0 : index
    %get3A_3 = arith.constant 0 : index
    %get3A_4 = vector.load %arg2[%get3A_2, %get3A_3] : memref<16x200xi32, #tpu.memory_space<vmem>>, vector<16x200xi32>
    %convert_element_type3A = arith.sitofp %get3A_4 : vector<16x200xi32> to vector<16x200xf32>
    %get3A_5 = arith.constant 0 : index
    %get3A_6 = arith.constant 0 : index
    %get3A_7 = vector.load %arg4[%get3A_5, %get3A_6] : memref<2x64xf32, #tpu.memory_space<vmem>>, vector<1x64xf32>
    %get3A_8 = vector.shape_cast %get3A_7 : vector<1x64xf32> to vector<64xf32>
    %get3A_9 = arith.constant 1 : index
    %get3A_10 = arith.constant 0 : index
    %get3A_11 = vector.load %arg4[%get3A_9, %get3A_10] : memref<2x64xf32, #tpu.memory_space<vmem>>, vector<1x64xf32>
    %get3A_12 = vector.shape_cast %get3A_11 : vector<1x64xf32> to vector<64xf32>
    %get3A_13 = arith.constant 0 : index
    %get3A_14 = arith.constant 0 : index
    %get3A_15 = vector.load %arg4[%get3A_13, %get3A_14] : memref<2x64xf32, #tpu.memory_space<vmem>>, vector<1x64xf32>
    %get3A_16 = vector.shape_cast %get3A_15 : vector<1x64xf32> to vector<64xf32>
    %sub3A = arith.subf %get3A_12, %get3A_16 : vector<64xf32>
    %get3A_17 = arith.constant 0 : index
    %get3A_18 = arith.constant 0 : index
    %get3A_19 = vector.load %arg3[%get3A_17, %get3A_18] : memref<200x64xf32, #tpu.memory_space<vmem>>, vector<200x64xf32>
    %broadcast_in_dim3A = vector.shape_cast %get3A_19 : vector<200x64xf32> to vector<1x200x64xf32>
    %add3A = vector.broadcast %broadcast_in_dim3A : vector<1x200x64xf32> to vector<16x200x64xf32>
    %add3A_20 = arith.addf %reshape3A, %add3A : vector<16x200x64xf32>
    %broadcast_in_dim3A_21 = vector.shape_cast %get3A_8 : vector<64xf32> to vector<1x1x64xf32>
    %add3A_22 = vector.broadcast %broadcast_in_dim3A_21 : vector<1x1x64xf32> to vector<16x200x64xf32>
    %add3A_23 = arith.addf %add3A_20, %add3A_22 : vector<16x200x64xf32>
    %broadcast_in_dim3A_24 = vector.shape_cast %convert_element_type3A : vector<16x200xf32> to vector<16x200x1xf32>
    %broadcast_in_dim3A_25 = vector.shape_cast %sub3A : vector<64xf32> to vector<1x1x64xf32>
    %mul3A = vector.broadcast %broadcast_in_dim3A_24 : vector<16x200x1xf32> to vector<16x200x64xf32>
    %mul3A_26 = vector.broadcast %broadcast_in_dim3A_25 : vector<1x1x64xf32> to vector<16x200x64xf32>
    %mul3A_27 = arith.mulf %mul3A, %mul3A_26 : vector<16x200x64xf32>
    %add3A_28 = arith.addf %add3A_23, %mul3A_27 : vector<16x200x64xf32>
    %reduce_sum3A = arith.constant dense<0.000000e+00> : vector<16x200xf32>
    %reduce_sum3A_29 = vector.multi_reduction <add>, %add3A_28, %reduce_sum3A [2] : vector<16x200x64xf32> to vector<16x200xf32>
    %broadcast_in_dim3A_30 = vector.shape_cast %reduce_sum3A_29 : vector<16x200xf32> to vector<16x200x1xf32>
    %div3A = arith.constant 6.400000e+01 : f32
    %div3A_31 = vector.broadcast %div3A : f32 to vector<16x200x1xf32>
    %div3A_32 = arith.divf %broadcast_in_dim3A_30, %div3A_31 : vector<16x200x1xf32>
    %mul3A_33 = arith.mulf %add3A_28, %add3A_28 : vector<16x200x64xf32>
    %reduce_sum3A_34 = arith.constant dense<0.000000e+00> : vector<16x200xf32>
    %reduce_sum3A_35 = vector.multi_reduction <add>, %mul3A_33, %reduce_sum3A_34 [2] : vector<16x200x64xf32> to vector<16x200xf32>
    %broadcast_in_dim3A_36 = vector.shape_cast %reduce_sum3A_35 : vector<16x200xf32> to vector<16x200x1xf32>
    %div3A_37 = arith.constant 6.400000e+01 : f32
    %div3A_38 = vector.broadcast %div3A_37 : f32 to vector<16x200x1xf32>
    %div3A_39 = arith.divf %broadcast_in_dim3A_36, %div3A_38 : vector<16x200x1xf32>
    %mul3A_40 = arith.mulf %div3A_32, %div3A_32 : vector<16x200x1xf32>
    %sub3A_41 = arith.subf %div3A_39, %mul3A_40 : vector<16x200x1xf32>
    %add3A_42 = arith.constant 9.99999974E-6 : f32
    %add3A_43 = vector.broadcast %add3A_42 : f32 to vector<16x200x1xf32>
    %add3A_44 = arith.addf %sub3A_41, %add3A_43 : vector<16x200x1xf32>
    %rsqrt3A = math.rsqrt %add3A_44 : vector<16x200x1xf32>
    %sub3A_45 = vector.broadcast %div3A_32 : vector<16x200x1xf32> to vector<16x200x64xf32>
    %sub3A_46 = arith.subf %add3A_28, %sub3A_45 : vector<16x200x64xf32>
    %mul3A_47 = vector.broadcast %rsqrt3A : vector<16x200x1xf32> to vector<16x200x64xf32>
    %mul3A_48 = arith.mulf %sub3A_46, %mul3A_47 : vector<16x200x64xf32>
    %get3A_49 = arith.constant 0 : index
    %get3A_50 = vector.load %arg5[%get3A_49] : memref<64xf32, #tpu.memory_space<vmem>>, vector<64xf32>
    %broadcast_in_dim3A_51 = vector.shape_cast %get3A_50 : vector<64xf32> to vector<1x1x64xf32>
    %mul3A_52 = vector.broadcast %broadcast_in_dim3A_51 : vector<1x1x64xf32> to vector<16x200x64xf32>
    %mul3A_53 = arith.mulf %mul3A_48, %mul3A_52 : vector<16x200x64xf32>
    %get3A_54 = arith.constant 0 : index
    %get3A_55 = vector.load %arg6[%get3A_54] : memref<64xf32, #tpu.memory_space<vmem>>, vector<64xf32>
    %broadcast_in_dim3A_56 = vector.shape_cast %get3A_55 : vector<64xf32> to vector<1x1x64xf32>
    %add3A_57 = vector.broadcast %broadcast_in_dim3A_56 : vector<1x1x64xf32> to vector<16x200x64xf32>
    %add3A_58 = arith.addf %mul3A_53, %add3A_57 : vector<16x200x64xf32>
    %reshape3A_59 = vector.shape_cast %add3A_58 : vector<16x200x64xf32> to vector<3200x64xf32>
    %swap3A = arith.constant 0 : index
    %swap3A_60 = arith.constant 0 : index
    %swap3A_61 = vector.load %arg7[%swap3A, %swap3A_60] : memref<3200x64xf32, #tpu.memory_space<vmem>>, vector<3200x64xf32>
    tpu.vector_store %arg7[%swap3A, %swap3A_60], %reshape3A_59 {strides = array<i32>} : memref<3200x64xf32, #tpu.memory_space<vmem>>, vector<3200x64xf32>,
    return
  }
  func.func @transform_0(%arg0: i32) -> (i32, i32) {
    %c0_i32 = arith.constant 0 : i32
    %c0_i32_0 = arith.constant 0 : i32
    return %arg0, %c0_i32 : i32, i32
  }
  func.func @transform_1(%arg0: i32) -> (i32, i32) {
    %c0_i32 = arith.constant 0 : i32
    %c0_i32_0 = arith.constant 0 : i32
    return %arg0, %c0_i32 : i32, i32
  }
  func.func @transform_2(%arg0: i32) -> (i32, i32) {
    %c0_i32 = arith.constant 0 : i32
    %c0_i32_0 = arith.constant 0 : i32
    %c0_i32_1 = arith.constant 0 : i32
    return %c0_i32, %c0_i32_0 : i32, i32
  }
  func.func @transform_3(%arg0: i32) -> (i32, i32) {
    %c0_i32 = arith.constant 0 : i32
    %c0_i32_0 = arith.constant 0 : i32
    %c0_i32_1 = arith.constant 0 : i32
    return %c0_i32, %c0_i32_0 : i32, i32
  }
  func.func @transform_4(%arg0: i32) -> i32 {
    %c0_i32 = arith.constant 0 : i32
    %c0_i32_0 = arith.constant 0 : i32
    return %c0_i32 : i32
  }
  func.func @transform_5(%arg0: i32) -> i32 {
    %c0_i32 = arith.constant 0 : i32
    %c0_i32_0 = arith.constant 0 : i32
    return %c0_i32 : i32
  }
  func.func @transform_6(%arg0: i32) -> (i32, i32) {
    %c0_i32 = arith.constant 0 : i32
    %c0_i32_0 = arith.constant 0 : i32
    return %arg0, %c0_i32 : i32, i32
  }
}

</mosaic_0001>

<sc_bundles>
// kernel: kernel.4.cloned.1.call-start
scs
__scs_entry_jumppad:
0x0: {  	(pc) =	sbr.rel $0x88, $3  }
0x1: {  	(tag) =	ssettag $0x0;
	lr =	simm.s32 $0x1  }
0x2: {  	[smem:$0x3F9A] =	sst lr;
	_ =	strace $0xD0000000  }
0x3: {  	_ = 	snop  }
0x4: {  	_ = 	snop  }
0x5: {  	_ = 	snop  }
0x6: {  	_ = 	snop  }
0x7: {  	_ = 	snop  }
__scs_overlays_trampoline_lowered:
0x8: {  	[smem:$0x3FA9] =	sst s0  }
0x9: {  	[smem:$0x3FAA] =	sst s1  }
0xa: {  	[smem:$0x3FAB] =	sst s2  }
0xb: {  	[smem:$0x3FAC] =	sst s3  }
0xc: {  	[smem:$0x3FAD] =	sst s4  }
0xd: {  	[smem:$0x3FAE] =	sst s5  }
0xe: {  	[smem:$0x3FAF] =	sst s6  }
0xf: {  	[smem:$0x3FB0] =	sst s7  }
0x10: {  	[smem:$0x3FB1] =	sst s8  }
0x11: {  	[smem:$0x3FB2] =	sst s9;
	s0 =	simm.s32 @!p0 $0x0  }
0x12: {  	s1 =	sld [smem:$0x3F98];
	s0 =	simm.s32 @p0 $0x1  }
0x13: {  	[smem:$0x3FB3] =	sst s0;
	s0 =	simm.s32 @!p1 $0x0  }
0x14: {  	s2 =	sld [smem:$0x3F97];
	s0 =	simm.s32 @p1 $0x1  }
0x15: {  	[smem:$0x3FB4] =	sst s0;
	s0 =	simm.s32 @!p2 $0x0  }
0x16: {  	s3 =	sld [smem:$0x3FDB];
	s0 =	simm.s32 @p2 $0x1  }
0x17: {  	s4 =	simm.s32 $0x1BF5;
	[smem:$0x3FB6] =	sst s0  }
0x18: {  	s0 =	sld [smem:$0x3F99];
	_ =	swait.ge [sflag:s4], $0x0  }
0x19: {  	s7 =	sld [smem:$0x3F9A]  }
0x1a: {  	s8 =	sadd.s32 $0xFFFFE003, lr  }
0x1b: {  	s9 =	sadd.s32 $0xFFFFFEF7, lr;
	s5 =	simm.s32 $0xFFFFFFFF;
	p2 =	slt.u32 s8, $0xFFFFF086  }
0x1c: {  	p1 =	slt.u32 s9, $0xF7A;
	s5 =	simm.s32 @!p2 $0x0  }
0x1d: {  	s5 =	simm.s32 @p1 $0x1;
	p0 =	seq.s32 s7, s2  }
0x1e: {  	s7 =	smul.u32 @!p0 $0xF7A, s2;
	p2 =	seq.s32 @!p0 s5, $0x0  }
0x1f: {  	s9 =	smul.u32 $0xF7A, s1;
	s8 =	simm.s32 @!p0 $0x1BF5;
	p2 =	por !p2, p0  }
0x20: {  	[sflag:s8] =	ssyncset.s32 @!p0 $0xFFFFF086;
	s6 =	sadd.s32 @!p0 s3, s7;
	s7 =	simm.s32 @!p0 $0x108  }
0x21: {  	s3 =	sadd.s32 s3, s9;
	s6 =	sadd.s32 @!p0 $0x88, s6;
	s7 =	simm.s32 @p2 $0x1082  }
0x22: {  	[simem:s7], [sflag:s8] =	dma.local @!p0 [hbm:s6], $0xF7A  }
0x23: {  	s9 =	sor.u32 $0xD0000000, s2;
	s6 =	simm.s32 $0x108;
	_ =	swait.ge @!p0 [sflag:s8], $0x0  }
0x24: {  	s3 =	sadd.s32 $0x88, s3;
	s6 =	simm.s32 @!p1 $0x1082;
	[sflag:s4] =	ssyncset.s32 $0xFFFFF086  }
0x25: {  	[simem:s6], [sflag:s4] =	dma.local [hbm:s3], $0xF7A  }
0x26: {  	[smem:$0x3F9A] =	sst s1;
	(tag) =	ssettag s2;
	_ =	strace s9  }
0x27: {  	s1 =	sld [smem:$0x3FAA]  }
0x28: {  	s2 =	sld [smem:$0x3FAB]  }
0x29: {  	s4 =	sld [smem:$0x3FAD]  }
0x2a: {  	p0 =	seq.s32 s5, $0x0;
	s5 =	sld [smem:$0x3FAE]  }
0x2b: {  	s6 =	sld [smem:$0x3FAF]  }
0x2c: {  	s7 =	sld [smem:$0x3FB0]  }
0x2d: {  	s3 =	simm.s32 $0x108;
	s8 =	sld [smem:$0x3FB1]  }
0x2e: {  	s3 =	simm.s32 @!p0 $0x1082;
	s9 =	sld [smem:$0x3FB2]  }
0x2f: {  	lr =	sadd.s32 s0, s3;
	s0 =	sld [smem:$0x3FA9]  }
0x30: {  	s3 =	sld [smem:$0x3FAC]  }
0x31: {  	[smem:$0x3FB5] =	sst s10  }
0x32: {  	s10 =	sld [smem:$0x3FB3];
	_ =	sdelay $0x3  }
0x33: {  	p0 =	seq.s32 s10, $0x1;
	s10 =	sld [smem:$0x3FB5];
	_ =	sdelay $0x3  }
0x34: {  	[smem:$0x3FB5] =	sst s10  }
0x35: {  	s10 =	sld [smem:$0x3FB4];
	_ =	sdelay $0x3  }
0x36: {  	p1 =	seq.s32 s10, $0x1;
	s10 =	sld [smem:$0x3FB5];
	_ =	sdelay $0x3  }
0x37: {  	[smem:$0x3FB5] =	sst s10  }
0x38: {  	s10 =	sld [smem:$0x3FB6]  }
0x39: {  	_ = 	snop;
	(pc) =	sbr.ind lr, $3  }
0x3a: {  	_ = 	snop  }
0x3b: {  	_ = 	snop  }
0x3c: {  	p2 =	seq.s32 s10, $0x1;
	s10 =	sld [smem:$0x3FB5]  }
0x3d: {  	_ =	shalt  }
0x3e: {  	_ =	shalt  }
0x3f: {  	_ =	shalt  }
0x40: {  	_ =	shalt  }
0x41: {  	_ =	shalt  }
0x42: {  	_ =	shalt  }
0x43: {  	_ =	shalt  }
0x44: {  	_ =	shalt  }
0x45: {  	_ =	shalt  }
0x46: {  	_ =	shalt  }
0x47: {  	_ =	shalt  }
0x48: {  	_ =	shalt  }
0x49: {  	_ =	shalt  }
0x4a: {  	_ =	shalt  }
0x4b: {  	_ =	shalt  }
0x4c: {  	_ =	shalt  }
0x4d: {  	_ =	shalt  }
0x4e: {  	_ =	shalt  }
0x4f: {  	_ =	shalt  }
0x50: {  	_ =	shalt  }
0x51: {  	_ =	shalt  }
0x52: {  	_ =	shalt  }
0x53: {  	_ =	shalt  }
0x54: {  	_ =	shalt  }
0x55: {  	_ =	shalt  }
0x56: {  	_ =	shalt  }
0x57: {  	_ =	shalt  }
0x58: {  	_ =	shalt  }
0x59: {  	_ =	shalt  }
0x5a: {  	_ =	shalt  }
0x5b: {  	_ =	shalt  }
0x5c: {  	_ =	shalt  }
0x5d: {  	_ =	shalt  }
0x5e: {  	_ =	shalt  }
0x5f: {  	_ =	shalt  }
0x60: {  	_ =	shalt  }
0x61: {  	_ =	shalt  }
0x62: {  	_ =	shalt  }
0x63: {  	_ =	shalt  }
0x64: {  	_ =	shalt  }
0x65: {  	_ =	shalt  }
0x66: {  	_ =	shalt  }
0x67: {  	_ =	shalt  }
0x68: {  	_ =	shalt  }
0x69: {  	_ =	shalt  }
0x6a: {  	_ =	shalt  }
0x6b: {  	_ =	shalt  }
0x6c: {  	_ =	shalt  }
0x6d: {  	_ =	shalt  }
0x6e: {  	_ =	shalt  }
0x6f: {  	_ =	shalt  }
0x70: {  	_ =	shalt  }
0x71: {  	_ =	shalt  }
0x72: {  	_ =	shalt  }
0x73: {  	_ =	shalt  }
0x74: {  	_ =	shalt  }
0x75: {  	_ =	shalt  }
0x76: {  	_ =	shalt  }
0x77: {  	_ =	shalt  }
0x78: {  	_ =	shalt  }
0x79: {  	_ =	shalt  }
0x7a: {  	_ =	shalt  }
0x7b: {  	_ =	shalt  }
0x7c: {  	_ =	shalt  }
0x7d: {  	_ =	shalt  }
0x7e: {  	_ =	shalt  }
0x7f: {  	_ =	shalt  }
0x80: {  	_ =	shalt  }
0x81: {  	_ =	shalt  }
0x82: {  	_ =	shalt  }
0x83: {  	_ =	shalt  }
0x84: {  	_ =	shalt  }
0x85: {  	_ =	shalt  }
0x86: {  	_ =	shalt  }
0x87: {  	_ =	shalt  }
.Lfunc_end0:
.L_simem_size_0:
called_computation.1_lowered:
.L_overlay_start_0:
0x88: {  	s2 =	sld [smem:$0x3FD9]  }
0x89: {  	s3 =	sld [smem:$0x3FFE];
	_ =	sdelay $0x1  }
0x8a: {  	s1 =	srdreg.scid  }
0x8b: {  	s0 =	sand.u32 $0x1, s1  }
0x8c: {  	s16 =	sshll.u32 s0, $0xA;
	s2 =	sadd.s32 s3, s2  }
0x8d: {  	s2 =	sadd.s32 s2, s16  }
0x8e: {  	[smem:$0x3FC1] =	sst s2  }
0x8f: {  	_ = 	snop  }
0x90: {  	(tm) =	ssettm $0x1  }
0x91: {  	s17 =	sld [smem:$0x3FFB];
	_ =	sdelay $0x3  }
0x92: {  	_ =	strace s17  }
0x93: {  	s2 =	sld [smem:$0x3FFC];
	_ =	sdelay $0x3  }
0x94: {  	_ =	strace s2  }
0x95: {  	s2 =	sld [smem:$0x3FFD];
	_ =	sdelay $0x3  }
0x96: {  	_ =	strace s2  }
0x97: {  	_ =	strace $0x8FFFFFFF  }
0x98: {  	s18 =	sld [smem:$0x3FDB];
	_ =	sdelay $0x1  }
0x99: {  	s19 =	simm.s32 $_scs_section_size  }
0x9a: {  	s4 =	simm.s32 $_size__tile_overlayer_lowered;
	s5 =	simm.s32 $_tile_overlayer_lowered  }
0x9b: {  	s22 =	simm.s32 $0x1BFF;
	s21 =	sshll.u32 s5, $0x1;
	s2 =	sadd.s32 s19, s18  }
0x9c: {  	s6 =	simm.s32 $0x0;
	s20 =	sshll.u32 s4, $0x1;
	s4 =	sadd.s32 s21, s2  }
0x9d: {  	[timem:s6], [sflag:s22] =	dma.local [hbm:s4], s20  }
0x9e: {  	_ =	swait.ge [sflag:s22], s20  }
0x9f: {  	s3 =	ssub.s32 $0x0, s20;
	[sflag:s22] =	ssyncset.done $0x0  }
0xa0: {  	[sflag:s22] =	ssyncadd.s32 s3;
	_ =	sdelay $0x1  }
0xa1: {  	s23 =	simm.s32 $0x1B8B  }
0xa2: {  	_ =	swait.ge [sflag:s23], $0x1  }
0xa3: {  	[sflag:s23] =	ssyncset.done $0x0  }
0xa4: {  	s25 =	simm.s32 $0x1B8E;
	s24 =	sld [smem:$0x3FFE];
	[sflag:s23] =	ssyncadd.s32 $0xFFFFFFFF  }
0xa5: {  	s26 =	simm.s32 $execute0_lowered;
	[smem:$0x3FD2] =	sst s25  }
0xa6: {  	s4 =	sshll.u32 s26, $0x1;
	_ =	strace $0x80000046;
	[dreg:$0x1] =	wrdreg $0xFFFFFFFF  }
0xa7: {  	s28 =	simm.s32 $_size_execute0_lowered;
	s2 =	sadd.s32 s2, s4;
	[dreg:$0x0] =	wrdreg $0x0  }
0xa8: {  	s4 =	sshll.u32 s28, $0x1;
	[dreg:$0x2] =	wrdreg s2  }
0xa9: {  	[dreg:$0x3] =	wrdreg s4  }
0xaa: {  	[dreg:$0x4] =	wrdreg $0xC0  }
0xab: {  	_ =	task [dreg:s6], $0x5FFFF  }
0xac: {  	[dreg:$0x1] =	wrdreg $0xFFFFFFFF  }
0xad: {  	[dreg:$0x0] =	wrdreg $0x60  }
0xae: {  	[dreg:$0x2] =	wrdreg s24  }
0xaf: {  	[dreg:$0x3] =	wrdreg $0x9  }
0xb0: {  	_ =	task.clear_ibuf [dreg:s6], $0x4FFFF;
	_ =	strace $0x90000046  }
0xb1: {  	s29 =	simm.s32 $0x9;
	_ =	strace $0x80000048  }
0xb2: {  	_ =	swait.ge [sflag:s29], $0x1  }
0xb3: {  	[sflag:s29] =	ssyncadd.s32 $0xFFFFFFFF  }
0xb4: {  	_ =	strace $0x90000048  }
0xb5: {  	_ =	sfence  }
0xb6: {  	s30 =	sld [smem:$0x0];
	_ =	sdelay $0x2  }
0xb7: {  	s31 =	sshll.u32 s1, $0xD;
	s1 =	sshrl.u32 s1, $0x2  }
0xb8: {  	s3 =	sand.u32 $0x4000, s31;
	s1 =	sadd.s32 s1, s30  }
0xb9: {  	s0 =	sor.u32 s3, s0;
	s1 =	sshll.u32 s1, $0x11  }
0xba: {  	s0 =	sor.u32 s1, s0  }
0xbb: {  	s0 =	sadd.s32 $0x8F2B, s0  }
0xbc: {  	[sflag:s0] =	ssyncadd.remote.s32 $0x1  }
0xbd: {  	_ =	sfence.sel $0xFFFF  }
0xbe: {  	[dreg:$0x0] =	wrdreg $0xFFFFFFFF;
	(pc) =	sbr.abs _section_cstart, $3  }
0xbf: {  	[dreg:$0x1] =	wrdreg $0xFFFFFFFF  }
0xc0: {  	_ =	task.clear_ibuf [dreg:s6], $0x2FFFF;
	_ =	strace $0x9FFFFFFF  }
0xc1: {  	(tm) =	ssettm $0x7FFFFFFF  }
tec
execute0_lowered:
.L_overlay_start_1:
0x0: {  	(tag) =	ssettag $0x1  }
0x1: {  	s4 =	rddreg [dreg:$0x0]  }
0x2: {  	s3 =	srdreg.scid;
	s0 =	stileid.u32;
	s2 =	simm.s32 $0x0  }
0x3: {  	s15 =	simm.s32 $0x2190;
	s16 =	simm.s32 $0xC8;
	s17 =	simm.s32 $0x3390  }
0x4: {  	s18 =	simm.s32 $0x148;
	s19 =	simm.s32 $0x5390;
	s20 =	simm.s32 $0x1  }
0x5: {  	s21 =	simm.s32 $0x40;
	s22 =	simm.s32 $0x3;
	s23 =	simm.s32 $0x2  }
0x6: {  	s24 =	simm.s32 $0x4;
	s25 =	simm.s32 $0x0;
	s11 =	smul.u32 $0x1900, s0  }
0x7: {  	s7 =	sand.u32 $0x1, s3;
	s29 =	sshll.u32 s0, $0x1;
	s13 =	smul.u32 $0xC8000, s0  }
0x8: {  	[smem:$0x7FF] =	sst s2;
	s8 =	sadd.s32 $0x1400, s4;
	s14 =	smul.u32 $0x64000, s7  }
0x9: {  	s3 =	sadd.s32 $0x1A400, s4;
	s5 =	sor.u32 s7, s29;
	s31 =	smul.u32 $0xC80, s7  }
0xa: {  	s10 =	sadd.s32 $0xDDA00, s4;
	s30 =	ssub.s32 $0x2, s7;
	s6 =	smul.u32 $0xC80, s5  }
0xb: {  	_ =	strace $0x80000047;
	s9 =	smul.u32 $0x64000, s5;
	s12 =	sshrl.u32 s30, $0x1  }
0xc: {  	s11 =	sadd.s32 s11, s8;
	s12 =	ssub.s32 s30, s12;
	s4 =	sadd.s32 s8, s6  }
0xd: {  	s6 =	sadd.s32 s10, s9;
	s10 =	sadd.s32 s13, s10;
	s8 =	smax.u32 s12, $0x1  }
0xe: {  	s9 =	sadd.s32 s31, s11;
	s11 =	simm.s32 $0x5;
	s12 =	simm.s32 $0x80  }
0xf: {  	s13 =	simm.s32 $0x190;
	s5 =	sadd.s32 $0x19, s4;
	s10 =	sadd.s32 s14, s10  }
0x10: {  	s7 =	sadd.s32 $0x63380, s6;
	s14 =	simm.s32 $0x48;
	s10 =	sadd.s32 $0x1900, s10  }
.LBB2_1:
0x11: {  	[tilespmem:s2], [sflag:$0x5] =	stream.linear.gather [hbm4b:s4+s2], $0xC8, $0x38;
	[tilespmem:$0x6590] =	vst v63  }
0x12: {  	_ =	swait.ge [sflag:s11], $0xC8  }
0x13: {  	[sflag:s11] =	ssyncset.done $0x0  }
0x14: {  	[sflag:s11] =	ssyncadd.s32 $0xFFFFFF38  }
0x15: {  	[tilespmem:s13], [sflag:$0x1] =	stream.indirect.gather [hbm4b:s3+s12], $0x40, s2, s12, $0xb8;
	[tilespmem:$0x6590] =	vst v63  }
0x16: {  	_ = 	snop  }
0x17: {  	[tilespmem:s15], [sflag:$0x1] =	stream.indirect.gather [hbm4b:s3+s14], $0x40, s12, s14, $0xb8;
	[tilespmem:$0x6590] =	vst v63  }
0x18: {  	_ = 	snop  }
0x19: {  	[tilespmem:s16], [sflag:$0x5] =	stream.linear.gather [hbm4b:s5+s2], $0xC8, $0x38;
	[tilespmem:$0x6590] =	vst v63  }
0x1a: {  	_ =	swait.ge [sflag:s11], $0xC8  }
0x1b: {  	[sflag:s11] =	ssyncset.done $0x0  }
0x1c: {  	[sflag:s11] =	ssyncadd.s32 $0xFFFFFF38  }
0x1d: {  	[tilespmem:s17], [sflag:$0x2] =	stream.indirect.gather [hbm4b:s3+s12], $0x40, s16, s12, $0xb8;
	[tilespmem:$0x6590] =	vst v63  }
0x1e: {  	_ = 	snop  }
0x1f: {  	[tilespmem:s19], [sflag:$0x2] =	stream.indirect.gather [hbm4b:s3+s14], $0x40, s18, s14, $0xb8;
	[tilespmem:$0x6590] =	vst v63  }
0x20: {  	_ =	swait.ge [sflag:s20], $0x2000  }
0x21: {  	[sflag:s20] =	ssyncset.done $0x0  }
0x22: {  	[sflag:s20] =	ssyncadd.s32 $0xFFFFE000  }
0x23: {  	_ =	swait.ge [sflag:s20], $0x1200  }
0x24: {  	[sflag:s20] =	ssyncset.done $0x0  }
0x25: {  	s26 =	sadd.s32 $0x0, s9;
	[sflag:s20] =	ssyncadd.s32 $0xFFFFEE00  }
0x26: {  	[hbm4b:s6+s21] =	stream.strided.scatter [tilespmem:s13], [sflag:$0x3], $0x3200, s12, s21, $0x38;
	[tilespmem:$0x6590] =	vst v63  }
0x27: {  	s28 =	sadd.s32 $0x32, s26  }
0x28: {  	[tilespmem:s2], [sflag:$0x5] =	stream.linear.gather [hbm4b:s28+s2], $0xC8, $0x38;
	[tilespmem:$0x6590] =	vst v63  }
0x29: {  	_ =	swait.ge [sflag:s11], $0xC8  }
0x2a: {  	[sflag:s11] =	ssyncset.done $0x0  }
0x2b: {  	[sflag:s11] =	ssyncadd.s32 $0xFFFFFF38  }
0x2c: {  	_ =	swait.ge [sflag:s22], $0x3200  }
0x2d: {  	[sflag:s22] =	ssyncset.done $0x0  }
0x2e: {  	[sflag:s22] =	ssyncadd.s32 $0xFFFFCE00  }
0x2f: {  	[tilespmem:s13], [sflag:$0x1] =	stream.indirect.gather [hbm4b:s3+s12], $0x40, s2, s12, $0xb8;
	[tilespmem:$0x6590] =	vst v63  }
0x30: {  	_ = 	snop  }
0x31: {  	[tilespmem:s15], [sflag:$0x1] =	stream.indirect.gather [hbm4b:s3+s14], $0x40, s12, s14, $0xb8;
	[tilespmem:$0x6590] =	vst v63  }
0x32: {  	_ =	swait.ge [sflag:s23], $0x2000  }
0x33: {  	[sflag:s23] =	ssyncset.done $0x0  }
0x34: {  	[sflag:s23] =	ssyncadd.s32 $0xFFFFE000  }
0x35: {  	_ =	swait.ge [sflag:s23], $0x1200  }
0x36: {  	[sflag:s23] =	ssyncset.done $0x0  }
0x37: {  	s28 =	sadd.s32 $0xFFFFF380, s10;
	[sflag:s23] =	ssyncadd.s32 $0xFFFFEE00  }
0x38: {  	[hbm4b:s28+s21] =	stream.strided.scatter [tilespmem:s17], [sflag:$0x4], $0x3200, s12, s21, $0x38;
	[tilespmem:$0x6590] =	vst v63  }
0x39: {  	s26 =	sadd.s32 $0x4B, s26  }
0x3a: {  	[tilespmem:s16], [sflag:$0x5] =	stream.linear.gather [hbm4b:s26+s2], $0xC8, $0x38;
	[tilespmem:$0x6590] =	vst v63  }
0x3b: {  	_ =	swait.ge [sflag:s11], $0xC8  }
0x3c: {  	[sflag:s11] =	ssyncset.done $0x0  }
0x3d: {  	[sflag:s11] =	ssyncadd.s32 $0xFFFFFF38  }
0x3e: {  	_ =	swait.ge [sflag:s24], $0x3200  }
0x3f: {  	[sflag:s24] =	ssyncset.done $0x0  }
0x40: {  	[sflag:s24] =	ssyncadd.s32 $0xFFFFCE00  }
0x41: {  	[tilespmem:s17], [sflag:$0x2] =	stream.indirect.gather [hbm4b:s3+s12], $0x40, s16, s12, $0xb8;
	[tilespmem:$0x6590] =	vst v63  }
0x42: {  	_ = 	snop  }
0x43: {  	[tilespmem:s19], [sflag:$0x2] =	stream.indirect.gather [hbm4b:s3+s14], $0x40, s18, s14, $0xb8;
	[tilespmem:$0x6590] =	vst v63  }
0x44: {  	_ =	swait.ge [sflag:s20], $0x2000  }
0x45: {  	[sflag:s20] =	ssyncset.done $0x0  }
0x46: {  	[sflag:s20] =	ssyncadd.s32 $0xFFFFE000  }
0x47: {  	_ =	swait.ge [sflag:s20], $0x1200  }
0x48: {  	s31 =	simm.s32 $0x64;
	s29 =	smov.u32 s10;
	[sflag:s20] =	ssyncset.done $0x0  }
0x49: {  	s28 =	sadd.s32 $0x32, s9;
	s26 =	sadd.s32 $0x1900, s10;
	[sflag:s20] =	ssyncadd.s32 $0xFFFFEE00  }
.LBB2_2:
0x4a: {  	[hbm4b:s29+s21] =	stream.strided.scatter [tilespmem:s13], [sflag:$0x3], $0x3200, s12, s21, $0x38;
	[tilespmem:$0x6590] =	vst v63  }
0x4b: {  	s30 =	smov.u32 s31;
	s29 =	smov.u32 s26  }
0x4c: {  	s1 =	sadd.s32 $0x32, s28;
	s0 =	sadd.s32 s30, s9;
	s30 =	sadd.s32 $0x32, s31  }
0x4d: {  	[tilespmem:s2], [sflag:$0x5] =	stream.linear.gather [hbm4b:s1+s2], $0xC8, $0x38;
	[tilespmem:$0x6590] =	vst v63  }
0x4e: {  	p0 =	sne.s32 s31, $0xC1C;
	_ =	swait.ge [sflag:s11], $0xC8  }
0x4f: {  	[sflag:s11] =	ssyncset.done $0x0  }
0x50: {  	[sflag:s11] =	ssyncadd.s32 $0xFFFFFF38  }
0x51: {  	_ =	swait.ge [sflag:s22], $0x3200  }
0x52: {  	[sflag:s22] =	ssyncset.done $0x0  }
0x53: {  	[sflag:s22] =	ssyncadd.s32 $0xFFFFCE00  }
0x54: {  	[tilespmem:s13], [sflag:$0x1] =	stream.indirect.gather [hbm4b:s3+s12], $0x40, s2, s12, $0xb8;
	[tilespmem:$0x6590] =	vst v63  }
0x55: {  	_ = 	snop  }
0x56: {  	[tilespmem:s15], [sflag:$0x1] =	stream.indirect.gather [hbm4b:s3+s14], $0x40, s12, s14, $0xb8;
	[tilespmem:$0x6590] =	vst v63  }
0x57: {  	_ =	swait.ge [sflag:s23], $0x2000  }
0x58: {  	[sflag:s23] =	ssyncset.done $0x0  }
0x59: {  	[sflag:s23] =	ssyncadd.s32 $0xFFFFE000  }
0x5a: {  	_ =	swait.ge [sflag:s23], $0x1200  }
0x5b: {  	[sflag:s23] =	ssyncset.done $0x0  }
0x5c: {  	s1 =	sadd.s32 $0xFFFFF380, s26;
	[sflag:s23] =	ssyncadd.s32 $0xFFFFEE00  }
0x5d: {  	[hbm4b:s1+s21] =	stream.strided.scatter [tilespmem:s17], [sflag:$0x4], $0x3200, s12, s21, $0x38;
	[tilespmem:$0x6590] =	vst v63  }
0x5e: {  	s1 =	sadd.s32 $0x4B, s28;
	s28 =	smov.u32 s0  }
0x5f: {  	[tilespmem:s16], [sflag:$0x5] =	stream.linear.gather [hbm4b:s1+s2], $0xC8, $0x38;
	[tilespmem:$0x6590] =	vst v63  }
0x60: {  	_ =	swait.ge [sflag:s11], $0xC8  }
0x61: {  	[sflag:s11] =	ssyncset.done $0x0  }
0x62: {  	[sflag:s11] =	ssyncadd.s32 $0xFFFFFF38  }
0x63: {  	_ =	swait.ge [sflag:s24], $0x3200  }
0x64: {  	[sflag:s24] =	ssyncset.done $0x0  }
0x65: {  	[sflag:s24] =	ssyncadd.s32 $0xFFFFCE00  }
0x66: {  	[tilespmem:s17], [sflag:$0x2] =	stream.indirect.gather [hbm4b:s3+s12], $0x40, s16, s12, $0xb8;
	[tilespmem:$0x6590] =	vst v63  }
0x67: {  	_ = 	snop  }
0x68: {  	[tilespmem:s19], [sflag:$0x2] =	stream.indirect.gather [hbm4b:s3+s14], $0x40, s18, s14, $0xb8;
	[tilespmem:$0x6590] =	vst v63  }
0x69: {  	_ =	swait.ge [sflag:s20], $0x2000  }
.Ltmp0:
0x6a: {  	[sflag:s20] =	ssyncset.done $0x0;
	(pc) =	sbr.rel @p0 .LBB2_2-.Ltmp0, $4  }
0x6b: {  	[sflag:s20] =	ssyncadd.s32 $0xFFFFE000  }
0x6c: {  	_ =	swait.ge [sflag:s20], $0x1200  }
0x6d: {  	[sflag:s20] =	ssyncset.done $0x0  }
0x6e: {  	s26 =	sadd.s32 $0x1900, s26;
	s31 =	smov.u32 s30;
	[sflag:s20] =	ssyncadd.s32 $0xFFFFEE00  }
0x6f: {  	[hbm4b:s29+s21] =	stream.strided.scatter [tilespmem:s13], [sflag:$0x3], $0x3200, s12, s21, $0x38;
	[tilespmem:$0x6590] =	vst v63  }
0x70: {  	s0 =	sadd.s32 $0x32, s28  }
0x71: {  	[tilespmem:s2], [sflag:$0x5] =	stream.linear.gather [hbm4b:s0+s2], $0xC8, $0x38;
	[tilespmem:$0x6590] =	vst v63  }
0x72: {  	_ =	swait.ge [sflag:s11], $0xC8  }
0x73: {  	[sflag:s11] =	ssyncset.done $0x0  }
0x74: {  	[sflag:s11] =	ssyncadd.s32 $0xFFFFFF38  }
0x75: {  	_ =	swait.ge [sflag:s22], $0x3200  }
0x76: {  	[sflag:s22] =	ssyncset.done $0x0  }
0x77: {  	[sflag:s22] =	ssyncadd.s32 $0xFFFFCE00  }
0x78: {  	[tilespmem:s13], [sflag:$0x1] =	stream.indirect.gather [hbm4b:s3+s12], $0x40, s2, s12, $0xb8;
	[tilespmem:$0x6590] =	vst v63  }
0x79: {  	_ = 	snop  }
0x7a: {  	[tilespmem:s15], [sflag:$0x1] =	stream.indirect.gather [hbm4b:s3+s14], $0x40, s12, s14, $0xb8;
	[tilespmem:$0x6590] =	vst v63  }
0x7b: {  	_ =	swait.ge [sflag:s23], $0x2000  }
0x7c: {  	[sflag:s23] =	ssyncset.done $0x0  }
0x7d: {  	[sflag:s23] =	ssyncadd.s32 $0xFFFFE000  }
0x7e: {  	_ =	swait.ge [sflag:s23], $0x1200  }
0x7f: {  	[sflag:s23] =	ssyncset.done $0x0  }
0x80: {  	s30 =	sadd.s32 $0xFFFFF380, s26;
	[sflag:s23] =	ssyncadd.s32 $0xFFFFEE00  }
0x81: {  	[hbm4b:s30+s21] =	stream.strided.scatter [tilespmem:s17], [sflag:$0x4], $0x3200, s12, s21, $0x38;
	[tilespmem:$0x6590] =	vst v63  }
0x82: {  	s31 =	sadd.s32 $0x4B, s28  }
0x83: {  	[tilespmem:s16], [sflag:$0x5] =	stream.linear.gather [hbm4b:s31+s2], $0xC8, $0x38;
	[tilespmem:$0x6590] =	vst v63  }
0x84: {  	_ =	swait.ge [sflag:s11], $0xC8  }
0x85: {  	[sflag:s11] =	ssyncset.done $0x0  }
0x86: {  	[sflag:s11] =	ssyncadd.s32 $0xFFFFFF38  }
0x87: {  	_ =	swait.ge [sflag:s24], $0x3200  }
0x88: {  	[sflag:s24] =	ssyncset.done $0x0  }
0x89: {  	[sflag:s24] =	ssyncadd.s32 $0xFFFFCE00  }
0x8a: {  	[tilespmem:s17], [sflag:$0x2] =	stream.indirect.gather [hbm4b:s3+s12], $0x40, s16, s12, $0xb8;
	[tilespmem:$0x6590] =	vst v63  }
0x8b: {  	_ = 	snop  }
0x8c: {  	[tilespmem:s19], [sflag:$0x2] =	stream.indirect.gather [hbm4b:s3+s14], $0x40, s18, s14, $0xb8;
	[tilespmem:$0x6590] =	vst v63  }
0x8d: {  	_ =	swait.ge [sflag:s20], $0x2000  }
0x8e: {  	[sflag:s20] =	ssyncset.done $0x0  }
0x8f: {  	[sflag:s20] =	ssyncadd.s32 $0xFFFFE000  }
0x90: {  	_ =	swait.ge [sflag:s20], $0x1200  }
0x91: {  	[sflag:s20] =	ssyncset.done $0x0  }
0x92: {  	[sflag:s20] =	ssyncadd.s32 $0xFFFFEE00  }
0x93: {  	[hbm4b:s26+s21] =	stream.strided.scatter [tilespmem:s13], [sflag:$0x3], $0x3200, s12, s21, $0x38;
	[tilespmem:$0x6590] =	vst v63  }
0x94: {  	_ =	swait.ge [sflag:s22], $0x3200  }
0x95: {  	[sflag:s22] =	ssyncset.done $0x0  }
0x96: {  	[sflag:s22] =	ssyncadd.s32 $0xFFFFCE00  }
0x97: {  	_ =	swait.ge [sflag:s23], $0x2000  }
0x98: {  	[sflag:s23] =	ssyncset.done $0x0  }
0x99: {  	[sflag:s23] =	ssyncadd.s32 $0xFFFFE000  }
0x9a: {  	s25 =	sadd.s32 $0x1, s25;
	_ =	swait.ge [sflag:s23], $0x1200  }
0x9b: {  	p0 =	sne.s32 s25, s8;
	[sflag:s23] =	ssyncset.done $0x0  }
.Ltmp1:
0x9c: {  	[sflag:s23] =	ssyncadd.s32 $0xFFFFEE00;
	(pc) =	sbr.rel @p0 .LBB2_1-.Ltmp1, $4  }
0x9d: {  	[hbm4b:s7+s21] =	stream.strided.scatter [tilespmem:s17], [sflag:$0x4], $0x3200, s12, s21, $0x38;
	[tilespmem:$0x6590] =	vst v63  }
0x9e: {  	_ =	swait.ge [sflag:s24], $0x3200  }
0x9f: {  	[sflag:s24] =	ssyncset.done $0x0  }
0xa0: {  	[sflag:s24] =	ssyncadd.s32 $0xFFFFCE00  }
0xa1: {  	_ =	sfence.sel $0x180000  }
0xa2: {  	[bflag:$0x0] =	sbarrier.arrive $0xFFFF  }
0xa3: {  	_ =	strace $0x90000047  }
0xa4: {  	s0 =	stileid.u32;
	[bflag:$0x2] =	sbarrier.arrive $0xFFFF  }
0xa5: {  	p0 =	sne.s32 s0, $0x0;
	s0 =	rddreg [dreg:$0x1]  }
0xa6: {  	s0 =	sadd.s32 @!p0 $0x100000, s0  }
0xa7: {  	[sflag:s0] =	ssyncadd.tile.s32 @!p0 $0x1;
	_ =	shalt  }
.Lfunc_end2:
_tile_overlayer_lowered:
.L_overlay_start_2:
0xa8: {  	(tag) =	ssettag $0x2  }
0xa9: {  	s0 =	rddreg [dreg:$0x0];
	s2 =	stileid.u32  }
0xaa: {  	s1 =	rddreg [dreg:$0x1];
	p0 =	sne.s32 s2, $0x0  }
0xab: {  	s3 =	rddreg [dreg:$0x2];
	[bflag:$0x3] =	sbarrier.arrive $0xFFFF;
	s2 =	simm.s32 @!p0 $0x1C05  }
0xac: {  	[timem:s3], [sflag:s2] =	dma.local @!p0 [hbm:s0], s1  }
0xad: {  	s0 =	simm.s32 @!p0 $0x5  }
0xae: {  	_ =	swait.ge @!p0 [sflag:s0], s1  }
0xaf: {  	s1 =	ssub.s32 @!p0 $0x0, s1;
	[sflag:s0] =	ssyncset.done @!p0 $0x0  }
0xb0: {  	[sflag:s0] =	ssyncadd.s32 @!p0 s1  }
0xb1: {  	[bflag:$0x3] =	sbarrier.arrive $0xFFFF  }
0xb2: {  	_ =	shalt  }

// kernel: sparse-core-data-format-call.cloned.1.call-start
scs
called_computation_lowered:
.L_overlay_start_0:
0x0: {  	s2 =	sld [smem:$0x3FD9]  }
0x1: {  	s3 =	sld [smem:$0x3FFE];
	_ =	sdelay $0x1  }
0x2: {  	s1 =	srdreg.scid  }
0x3: {  	s0 =	sand.u32 $0x1, s1  }
0x4: {  	s18 =	sshll.u32 s0, $0xA;
	s2 =	sadd.s32 s3, s2  }
0x5: {  	s2 =	sadd.s32 s2, s18  }
0x6: {  	[smem:$0x3FC1] =	sst s2  }
0x7: {  	_ = 	snop  }
0x8: {  	s2 =	sld [smem:$0x3FD0];
	(tm) =	ssettm $0x1  }
0x9: {  	s19 =	sld [smem:$0x3FFB];
	_ =	sdelay $0x3  }
0xa: {  	_ =	strace s19  }
0xb: {  	s3 =	sld [smem:$0x3FFC];
	_ =	sdelay $0x3  }
0xc: {  	_ =	strace s3  }
0xd: {  	s3 =	sld [smem:$0x3FFD];
	_ =	sdelay $0x3  }
0xe: {  	_ =	strace s3  }
0xf: {  	_ =	strace $0x8FFFFFFF  }
0x10: {  	s20 =	sld [smem:$0x3FDB];
	_ =	sdelay $0x1  }
0x11: {  	s4 =	simm.s32 $_scs_section_size  }
0x12: {  	s5 =	simm.s32 $_size__tile_overlayer_lowered;
	s6 =	simm.s32 $_tile_overlayer_lowered  }
0x13: {  	s23 =	simm.s32 $0x1BFF;
	s22 =	sshll.u32 s6, $0x1;
	s3 =	sadd.s32 s4, s20  }
0x14: {  	s7 =	simm.s32 $0x0;
	s21 =	sshll.u32 s5, $0x1;
	s5 =	sadd.s32 s22, s3  }
0x15: {  	[timem:s7], [sflag:s23] =	dma.local [hbm:s5], s21  }
0x16: {  	_ =	swait.ge [sflag:s23], s21  }
0x17: {  	s4 =	ssub.s32 $0x0, s21;
	[sflag:s23] =	ssyncset.done $0x0  }
0x18: {  	[sflag:s23] =	ssyncadd.s32 s4;
	_ =	sdelay $0x1  }
0x19: {  	s24 =	simm.s32 $0x1B8B  }
0x1a: {  	_ =	swait.ge [sflag:s24], $0x1  }
0x1b: {  	[sflag:s24] =	ssyncset.done $0x0  }
0x1c: {  	s26 =	simm.s32 $0x1B8E;
	s25 =	sld [smem:$0x3FFE];
	[sflag:s24] =	ssyncadd.s32 $0xFFFFFFFF  }
0x1d: {  	s27 =	simm.s32 $execute0_lowered;
	[smem:$0x3FD2] =	sst s26  }
0x1e: {  	s5 =	sshll.u32 s27, $0x1;
	_ =	strace $0x80000049;
	[dreg:$0x1] =	wrdreg $0xFFFFFFFF  }
0x1f: {  	s28 =	simm.s32 $_size_execute0_lowered;
	s3 =	sadd.s32 s3, s5;
	[dreg:$0x0] =	wrdreg $0x0  }
0x20: {  	s5 =	sshll.u32 s28, $0x1;
	[dreg:$0x2] =	wrdreg s3  }
0x21: {  	[dreg:$0x3] =	wrdreg s5  }
0x22: {  	[dreg:$0x4] =	wrdreg $0xC0  }
0x23: {  	_ =	task [dreg:s7], $0x5FFFF  }
0x24: {  	[dreg:$0x1] =	wrdreg $0xFFFFFFFF  }
0x25: {  	[dreg:$0x0] =	wrdreg $0x60  }
0x26: {  	[dreg:$0x2] =	wrdreg s25  }
0x27: {  	[dreg:$0x3] =	wrdreg s2  }
0x28: {  	[dreg:$0x4] =	wrdreg $0x9  }
0x29: {  	_ =	task.clear_ibuf [dreg:s7], $0x5FFFF;
	_ =	strace $0x90000049  }
0x2a: {  	s29 =	simm.s32 $0x9;
	_ =	strace $0x8000004B  }
0x2b: {  	_ =	swait.ge [sflag:s29], $0x1  }
0x2c: {  	[sflag:s29] =	ssyncadd.s32 $0xFFFFFFFF  }
0x2d: {  	_ =	strace $0x9000004B  }
0x2e: {  	_ =	sfence  }
0x2f: {  	s30 =	sld [smem:$0x0];
	_ =	sdelay $0x2  }
0x30: {  	s31 =	sshll.u32 s1, $0xD;
	s1 =	sshrl.u32 s1, $0x2  }
0x31: {  	s3 =	sand.u32 $0x4000, s31;
	s1 =	sadd.s32 s1, s30  }
0x32: {  	s0 =	sor.u32 s3, s0;
	s1 =	sshll.u32 s1, $0x11  }
0x33: {  	s0 =	sor.u32 s1, s0  }
0x34: {  	s0 =	sadd.s32 $0x8F2B, s0  }
0x35: {  	[sflag:s0] =	ssyncadd.remote.s32 $0x1  }
0x36: {  	_ =	sfence.sel $0xFFFF  }
0x37: {  	[dreg:$0x0] =	wrdreg $0xFFFFFFFF;
	(pc) =	sbr.abs _section_cstart, $3  }
0x38: {  	[dreg:$0x1] =	wrdreg $0xFFFFFFFF  }
0x39: {  	_ =	task.clear_ibuf [dreg:s7], $0x2FFFF;
	_ =	strace $0x9FFFFFFF  }
0x3a: {  	(tm) =	ssettm $0x7FFFFFFF  }
0x3b: {  	_ =	shalt  }
tec
execute0_lowered:
.L_overlay_start_1:
0x0: {  	(tag) =	ssettag $0x1  }
0x1: {  	s0 =	srdreg.scid  }
0x2: {  	s1 =	sshll.u32 s0, $0x4  }
0x3: {  	s0 =	stileid.u32;
	s1 =	sand.u32 $0x10, s1  }
0x4: {  	s1 =	sor.u32 s0, s1  }
0x5: {  	s6 =	rddreg [dreg:$0x0];
	s4 =	simm.s32 $0x1;
	s2 =	sshll.u32 s1, $0x7  }
0x6: {  	s7 =	simm.s32 $0x2;
	s12 =	simm.s32 $0x0;
	s1 =	ssub.s32 $0x1000, s2  }
0x7: {  	s8 =	simm.s32 $0x8000;
	s13 =	simm.s32 $0x0;
	s3 =	sand.u32 $0xF80, s1  }
0x8: {  	s9 =	simm.s32 $0x0;
	s5 =	sshrl.u32 s1, $0xC;
	p0 =	sne.s32 s3, $0x0  }
.Ltmp0:
0x9: {  	s1 =	rddreg [dreg:$0x2];
	s4 =	simm.s32 @!p0 $0x0;
	(pc) =	sbr.rel .LBB1_1-.Ltmp0, $4  }
0xa: {  	s11 =	simm.s32 $0x0;
	s3 =	rddreg [dreg:$0x1];
	s5 =	sadd.s32 s4, s5  }
0xb: {  	_ =	strace $0x8000004A;
	s4 =	simm.s32 $0x1;
	s5 =	smul.u32 $0xC8, s5  }
0xc: {  	s6 =	sadd.s32 $0xD5DA00, s6;
	s10 =	smov.u32 s2;
	[sflag:s4] =	ssyncpa.u1 $0x0  }
0xd: {  	p0 =	por $0x0, $0x0;
	[sflag:s7] =	ssyncpa.u1 $0x0;
	s7 =	sor.u32 $0x1, s5  }
.LBB1_4:
0xe: {  	s16 =	sshll.u32 s13, $0x3;
	s17 =	sand.u32 $0x78, s13  }
0xf: {  	s30 =	sand.u32 $0x7E00, s13;
	s12 =	sshll.u32 s12, $0xF;
	s16 =	sand.u32 $0xC00, s16  }
0x10: {  	[tilespmem:s15+$0x810 ss:$0x81] =	vst.msk $0xffff, v2;
	s31 =	sand.u32 $0x7, s13;
	s16 =	sor.u32 s17, s16;
	s17 =	sadd.s32 s3, s30  }
0x11: {  	[tilespmem:s15+$0x1020 ss:$0x81] =	vst.msk $0xffff, v0;
	s13 =	sshll.u32 s31, $0x12;
	s12 =	sadd.s32 s12, s17;
	s16 =	sshrl.u32 s16, $0x3  }
0x12: {  	[tilespmem:s15+$0x0 ss:$0x81] =	vst.msk $0xffff, v1;
	s13 =	sor.u32 $0x400, s13;
	s12 =	sadd.s32 s16, s12  }
0x13: {  	[hbm4b:s12+s13] =	stream.strided.scatter [tilespmem:s14], [sflag:$0x2], $0x2000, s8, s13, $0x20;
	[tilespmem:$0x8080] =	vst v63  }
.LBB1_5:
0x14: {  	s14 =	sadd.s32 $0x1, s9  }
0x15: {  	s12 =	sadd.s32 $0x1000, s10;
	s16 =	smov.u32 s10;
	p2 =	sgt.s32 s14, $0xC7  }
0x16: {  	s16 =	smov.u32 @p2 s12  }
0x17: {  	s14 =	simm.s32 @p2 $0x0;
	p2 =	sgt.s32 s16, $0xFFF  }
0x18: {  	s16 =	smov.u32 @p2 s2;
	p2 =	sne.s32 s11, s7  }
.Ltmp1:
0x19: {  	p1 =	slt.u32 s11, $0x2;
	(pc) =	sbr.rel @!p2 .LBB1_6-.Ltmp1, $4  }
0x1a: {  	s15 =	simm.s32 @!p1 $0x2  }
0x1b: {  	s13 =	smov.u32 s10;
	p0 =	por !p0, !p0;
	_ =	swait.ge @!p1 [sflag:s15], $0x2000  }
0x1c: {  	s12 =	smov.u32 s9;
	[sflag:s15] =	ssyncset.done @!p1 $0x0;
	s9 =	smov.u32 s14  }
0x1d: {  	s11 =	sadd.s32 $0x1, s11;
	[sflag:s15] =	ssyncadd.s32 @!p1 $0xFFFFE000;
	s10 =	smov.u32 s16  }
.LBB1_1:
0x1e: {  	p1 =	sge.u32 s11, s5  }
0x1f: {  	s14 =	sand.u32 @!p1 $0x1FFFFFF, s9  }
0x20: {  	s15 =	smulhi.u32 @!p1 $0x147AE15, s14;
	_ =	sdelay $0x1  }
0x21: {  	s15 =	smul.u32 @!p1 $0xC8, s15  }
0x22: {  	s16 =	sxor.u32 @!p1 $0xFFFFFFFF, s11;
	s17 =	smul.u32 @!p1 $0xC80, s10  }
0x23: {  	s31 =	sadd.s32 $0xFFFFFFFF, s11;
	s16 =	sshll.u32 @!p1 s16, $0xD;
	s14 =	ssub.s32 @!p1 s14, s15  }
0x24: {  	s15 =	sand.u32 @!p1 $0x2000, s16;
	s16 =	sadd.s32 @!p1 s6, s17;
	s14 =	sshll.u32 @!p1 s14, $0x4  }
0x25: {  	s17 =	simm.s32 @!p1 $0x6400;
	s14 =	sadd.s32 @!p1 s14, s16;
	s16 =	simm.s32 @!p1 $0x40  }
0x26: {  	[tilespmem:s15], [sflag:$0x1] =	stream.strided.gather @!p1 [hbm4b:s14+s16], $0x2000, s17, s16, $0x38;
	[tilespmem:$0x8080] =	vst v63  }
0x27: {  	p1 =	sge.u32 s31, s5  }
.Ltmp2:
0x28: {  	_ = 	snop;
	(pc) =	sbr.rel @p1 .LBB1_5-.Ltmp2, $1  }
0x29: {  	_ =	sdelay $0x3  }
0x2a: {  	s14 =	simm.s32 $0x1  }
0x2b: {  	_ =	swait.ge [sflag:s4], $0x2000;
	s14 =	simm.s32 @!p0 $0x0  }
0x2c: {  	[sflag:s4] =	ssyncset.done $0x0;
	s15 =	sshll.u32 s14, $0xD  }
0x2d: {  	[sflag:s4] =	ssyncadd.s32 $0xFFFFE000;
	s18 =	sor.u32 $0x20, s15  }
0x2e: {  	s14 =	smul.u32 $0x8100, s14;
	v3 =	vld [tilespmem:s18+$0x10]  }
0x2f: {  	s30 =	sand.u32 $0x1, s11;
	v2 =	vld [tilespmem:s18+$0xFFFFFFF0]  }
0x30: {  	s15 =	smul.u32 $0x8100, s30;
	s14 =	sshrl.u32 s14, $0x2;
	v0 =	vld [tilespmem:s18+$0x0]  }
0x31: {  	v1 =	vld [tilespmem:s18+$0xFFFFFFE0];
	s16 =	sor.u32 $0x4000, s14  }
0x32: {  	s31 =	sshrl.u32 s15, $0x2;
	s15 =	sadd.s32 $0x0, s16  }
0x33: {  	s17 =	simm.s32 $0x4;
	s18 =	sadd.s32 $0x40, s18;
	s14 =	sor.u32 $0x4000, s31;
	[tilespmem:s15+$0x1830 ss:$0x81] =	vst.msk $0xffff, v3  }
.LBB1_3:
0x34: {  	v3 =	vld [tilespmem:s18+$0x10];
	p1 =	sne.s32 s17, $0x1FC;
	[tilespmem:s15+$0x810 ss:$0x81] =	vst.msk $0xffff, v2;
	s19 =	smov.u32 s17;
	s17 =	sadd.s32 $0x4, s17  }
.Ltmp3:
0x35: {  	v2 =	vld [tilespmem:s18+$0xFFFFFFF0];
	[tilespmem:s15+$0x1020 ss:$0x81] =	vst.msk $0xffff, v0;
	(pc) =	sbr.rel @p1 .LBB1_3-.Ltmp3, $4  }
0x36: {  	v0 =	vld [tilespmem:s18+$0x0];
	[tilespmem:s15+$0x0 ss:$0x81] =	vst.msk $0xffff, v1  }
0x37: {  	s15 =	sshra.s32 s19, $0x2;
	v1 =	vld [tilespmem:s18+$0xFFFFFFE0]  }
0x38: {  	s15 =	sadd.s32 s15, s16  }
0x39: {  	s18 =	sadd.s32 $0x40, s18;
	[tilespmem:s15+$0x1830 ss:$0x81] =	vst.msk $0xffff, v3  }
.Ltmp4:
0x3a: {  	_ = 	snop;
	(pc) =	sbr.rel .LBB1_4-.Ltmp4, $1  }
0x3b: {  	_ =	sdelay $0x3  }
.LBB1_6:
0x3c: {  	_ =	sfence.sel $0x180000  }
0x3d: {  	s2 =	simm.s32 $0x1;
	[bflag:$0x0] =	sbarrier.arrive $0xFFFF  }
0x3e: {  	s31 =	simm.s32 $0x2;
	[sflag:s2] =	ssyncpa.u1 $0x1  }
0x3f: {  	[sflag:s31] =	ssyncpa.u1 $0x1  }
0x40: {  	p0 =	sne.s32 s0, $0x0;
	_ =	strace $0x9000004A  }
0x41: {  	s0 =	sadd.s32 @!p0 $0x100000, s1;
	[bflag:$0x2] =	sbarrier.arrive $0xFFFF  }
0x42: {  	[sflag:s0] =	ssyncadd.tile.s32 @!p0 $0x1;
	_ =	shalt  }
.Lfunc_end1:
_tile_overlayer_lowered:
.L_overlay_start_2:
0x43: {  	(tag) =	ssettag $0x2  }
0x44: {  	s0 =	rddreg [dreg:$0x0];
	s2 =	stileid.u32  }
0x45: {  	s1 =	rddreg [dreg:$0x1];
	p0 =	sne.s32 s2, $0x0  }
0x46: {  	s3 =	rddreg [dreg:$0x2];
	[bflag:$0x3] =	sbarrier.arrive $0xFFFF;
	s2 =	simm.s32 @!p0 $0x1C01  }
0x47: {  	[timem:s3], [sflag:s2] =	dma.local @!p0 [hbm:s0], s1  }
0x48: {  	s0 =	simm.s32 @!p0 $0x1  }
0x49: {  	_ =	swait.ge @!p0 [sflag:s0], s1  }
0x4a: {  	s1 =	ssub.s32 @!p0 $0x0, s1;
	[sflag:s0] =	ssyncset.done @!p0 $0x0  }
0x4b: {  	[sflag:s0] =	ssyncadd.s32 @!p0 s1  }
0x4c: {  	[bflag:$0x3] =	sbarrier.arrive $0xFFFF  }
0x4d: {  	_ =	shalt  }

</sc_bundles>
